<compile_context>
chip_gen: v7x
topology: tpu7x:2x2x1
jax: 0.10.2.dev20260603
libtpu: 0.0.44.dev20260713+nightly
codegen_flags: <defaults>
</compile_context>

<pallas_src>
import functools

import jax
import jax.numpy as jnp
from jax import lax
from jax.experimental import pallas as pl
from jax.experimental.pallas import tpu as pltpu
from jax.experimental.pallas import tpu_sc as plsc

N = 16384
D = 128
C_PAD = 112
NC, NS = 2, 16
NW = NC * NS
ROWS_W = N // NW
CHUNK = 128
NCHUNK = ROWS_W // CHUNK
ZROWS = C_PAD // NS


def _sc_segment_sums(emb, lab2d):
    mesh = plsc.VectorSubcoreMesh(core_axis_name="c", subcore_axis_name="s")

    @functools.partial(
        pl.kernel,
        mesh=mesh,
        out_type=jax.ShapeDtypeStruct((NC, 2, C_PAD, D), jnp.float32),
        scratch_types=[
            pltpu.VMEM((2, CHUNK, D), jnp.float32),
            pltpu.VMEM((NCHUNK, CHUNK), jnp.int32),
            pltpu.VMEM((ZROWS, D), jnp.float32),
            pltpu.VMEM_SHARED((C_PAD, D), jnp.float32),
            pltpu.VMEM_SHARED((C_PAD, D), jnp.float32),
            pltpu.SemaphoreType.DMA,
            pltpu.SemaphoreType.DMA,
        ],
    )
    def seg(emb_hbm, lab_hbm, sums_out,
            rows_v, idx_v, zer_v, ssum0, ssum1, sem0, sem1):
        cid = lax.axis_index("c")
        sid = lax.axis_index("s")
        w = cid * NS + sid

        sems = [sem0, sem1]
        hs = [
            pltpu.async_copy(
                emb_hbm.at[pl.ds(w * ROWS_W + j * CHUNK, CHUNK)],
                rows_v.at[j], sems[j])
            for j in range(2)
        ]

        pltpu.sync_copy(lab_hbm.at[pl.ds(w * NCHUNK, NCHUNK)], idx_v)

        def fill_zeros(i, carry):
            r = i // 8
            q = i % 8
            zer_v[r, pl.ds(q * 16, 16)] = jnp.zeros((16,), jnp.float32)
            return carry

        lax.fori_loop(0, ZROWS * 8, fill_zeros, 0)

        pltpu.sync_copy(zer_v, ssum0.at[pl.ds(sid * ZROWS, ZROWS)])
        pltpu.sync_copy(zer_v, ssum1.at[pl.ds(sid * ZROWS, ZROWS)])
        plsc.subcore_barrier()

        for j in range(NCHUNK):
            b = j % 2
            hs[b].wait()

            @pl.when(sid < NS // 2)
            def _(b=b, j=j):
                pltpu.sync_copy(rows_v.at[b], ssum0.at[idx_v.at[j]], add=True)

            @pl.when(sid >= NS // 2)
            def _(b=b, j=j):
                pltpu.sync_copy(rows_v.at[b], ssum1.at[idx_v.at[j]], add=True)

            if j + 2 < NCHUNK:
                hs[b] = pltpu.async_copy(
                    emb_hbm.at[pl.ds(w * ROWS_W + (j + 2) * CHUNK, CHUNK)],
                    rows_v.at[b], sems[b])

        plsc.subcore_barrier()

        @pl.when(sid < C_PAD // 8)
        def _():
            pltpu.sync_copy(ssum0.at[pl.ds(sid * 8, 8)],
                            sums_out.at[cid, 0, pl.ds(sid * 8, 8)])
            pltpu.sync_copy(ssum1.at[pl.ds(sid * 8, 8)],
                            sums_out.at[cid, 1, pl.ds(sid * 8, 8)])

    return seg(emb, lab2d)


def _tc_histogram(lab2d):
    def body(l_ref, o_ref):
        iota_c = lax.broadcasted_iota(jnp.int32, (C_PAD, CHUNK), 0)

        def step(r, acc):
            lr = l_ref[pl.ds(r, 1), :]
            return acc + jnp.where(lr == iota_c, 1.0, 0.0)

        o_ref[...] = lax.fori_loop(0, N // CHUNK, step,
                                   jnp.zeros((C_PAD, CHUNK), jnp.float32))

    return pl.pallas_call(
        body,
        out_shape=jax.ShapeDtypeStruct((C_PAD, CHUNK), jnp.float32),
    )(lab2d)


def _tc_finalize(sums2, cmat):
    def body(s_ref, c_ref, o_ref):
        s = s_ref[...]
        sums = s[0, 0] + s[0, 1] + s[1, 0] + s[1, 1]
        counts = jnp.sum(c_ref[...], axis=1, keepdims=True)

        safe = jnp.maximum(counts, 1.0)
        means = sums / safe
        norms = jnp.sqrt(jnp.sum(means * means, axis=1, keepdims=True))
        dot = jnp.sum(sums * means, axis=1, keepdims=True)
        dotn = dot / jnp.maximum(norms, 1e-12)
        pcm = (counts - dotn) / safe
        valid = counts >= 2.0
        nv = jnp.sum(valid.astype(jnp.float32))
        loss = jnp.sum(jnp.where(valid, pcm, jnp.zeros_like(pcm)))
        o_ref[0, 0] = jnp.where(nv > 0, loss / jnp.maximum(nv, 1.0), 0.0)

    out = pl.pallas_call(
        body,
        out_shape=jax.ShapeDtypeStruct((1, 1), jnp.float32),
        out_specs=pl.BlockSpec(memory_space=pltpu.SMEM),
    )(sums2, cmat)
    return out[0, 0]


def kernel(embeddings, labels):
    emb = jnp.asarray(embeddings, jnp.float32)
    lab2d = jnp.asarray(labels, jnp.int32).reshape(N // CHUNK, CHUNK)
    cmat = _tc_histogram(lab2d)
    sums2 = _sc_segment_sums(emb, lab2d)
    return _tc_finalize(sums2, cmat)

# --- scband reference (transcript-rebuilt; emitter-appended) ---
"""Pipeline reference for scband-alignment-loss-43851616092487 (READ-ONLY COPY).

The authoritative reference and input builder live on the scoring server;
editing this copy changes nothing except your own understanding.
"""

import jax, jax.numpy as jnp
import numpy as np

NUM_CLASSES = 100


def setup_inputs(seed: int = 0) -> dict:
    key = jax.random.key(seed)
    k1, k2 = jax.random.split(key)
    embeddings = jax.random.normal(k1, (16384, 128), dtype=jnp.float32)
    labels = jax.random.randint(k2, (16384,), 0, NUM_CLASSES)
    return {"embeddings": embeddings, "labels": labels}


def reference(embeddings, labels):
    # Faithful vectorized translation of the per-unique-label loop:
    # for each class with >= 2 members, compute mean embedding, L2-normalize it
    # (F.normalize semantics: x / max(||x||, eps)), take dot with each member,
    # average (1 - dot) within the class, then average over qualifying classes.
    C = NUM_CLASSES
    dtype = embeddings.dtype
    counts = jnp.bincount(labels, length=C).astype(dtype)
    sums = jax.ops.segment_sum(embeddings, labels, num_segments=C)
    safe_counts = jnp.maximum(counts, 1.0)
    means = sums / safe_counts[:, None]
    norms = jnp.linalg.norm(means, axis=-1, keepdims=True)
    centroids = means / jnp.maximum(norms, 1e-12)  # F.normalize(dim=-1)
    cent_per_sample = jnp.take(centroids, labels, axis=0)
    cos_sim = jnp.sum(embeddings * cent_per_sample, axis=-1)
    per_class_sum = jax.ops.segment_sum(1.0 - cos_sim, labels, num_segments=C)
    per_class_mean = per_class_sum / safe_counts
    valid = counts >= 2.0  # classes with at least 2 members contribute
    num_valid = jnp.sum(valid.astype(dtype))
    loss = jnp.sum(jnp.where(valid, per_class_mean, jnp.zeros_like(per_class_mean)))
    return jnp.where(num_valid > 0, loss / jnp.maximum(num_valid, 1.0), jnp.asarray(0.0, dtype))

if __name__ == "__main__":
    import jax
    _d = setup_inputs()
    print(jax.jit(kernel)(*tuple(_d.values())))

</pallas_src>

<mosaic_0001>
#map = affine_map<(d0, d1) -> (0, 0)>
#map1 = affine_map<(d0, d1) -> (0, 0, 0, 0)>
module attributes {stable_mosaic.version = 14 : i64} {
  func.func @seg(%arg0: i32, %arg1: i32, %arg2: memref<16384x128xf32, #tpu.memory_space<hbm>>, %arg3: memref<128x128xi32, #tpu.memory_space<hbm>>, %arg4: memref<2x2x112x128xf32, #tpu.memory_space<hbm>>, %arg5: memref<2x128x128xf32, #tpu.memory_space<vmem>>, %arg6: memref<4x128xi32, #tpu.memory_space<vmem>>, %arg7: memref<7x128xf32, #tpu.memory_space<vmem>>, %arg8: memref<112x128xf32, #tpu.memory_space<vmem_shared>>, %arg9: memref<112x128xf32, #tpu.memory_space<vmem_shared>>, %arg10: memref<!tpu.dma_semaphore, #tpu.memory_space<semaphore_mem>>, %arg11: memref<!tpu.dma_semaphore, #tpu.memory_space<semaphore_mem>>) attributes {dimension_semantics = [#tpu.dimension_semantics<core_parallel>, #tpu.dimension_semantics<subcore_parallel>], iteration_bounds = array<i64: 2, 16>, scalar_prefetch = 0 : i64, scratch_operands = 7 : i64, tpu.core_type = #tpu.core_type<sc_vector_subcore>, window_params = [{transform_indices = #map}, {transform_indices = #map}, {transform_indices = #map1}]} {
    %mul3A = arith.constant 16 : i32
    %mul3A_0 = arith.muli %arg0, %mul3A : i32
    %add3A = arith.addi %mul3A_0, %arg1 : i32
    %mul3A_1 = arith.constant 512 : i32
    %mul3A_2 = arith.muli %add3A, %mul3A_1 : i32
    %add3A_3 = arith.constant 0 : i32
    %add3A_4 = arith.addi %mul3A_2, %add3A_3 : i32
    %dma_start3A = arith.constant 0 : i32
    %dma_start3A_5 = arith.constant 0 : i32
    %dma_start3A_6 = arith.constant 0 : i32
    %dma_start3A_7 = tpu.memref_slice %arg5[%dma_start3A, %dma_start3A_5, %dma_start3A_6] : memref<2x128x128xf32, #tpu.memory_space<vmem>> -> memref<1x128x128xf32, #tpu.memory_space<vmem>>
    %dma_start3A_8 = tpu.memref_squeeze %dma_start3A_7 : memref<1x128x128xf32, #tpu.memory_space<vmem>> -> memref<128x128xf32, #tpu.memory_space<vmem>>
    %dma_start3A_9 = arith.constant 0 : i32
    %dma_start3A_10 = tpu.memref_slice %arg2[%add3A_4, %dma_start3A_9] : memref<16384x128xf32, #tpu.memory_space<hbm>> -> memref<128x128xf32, #tpu.memory_space<hbm>>
    %dma_start3A_11 = arith.constant 0 : i32
    %dma_start3A_12 = arith.constant 0 : i32
    %dma_start3A_13 = tpu.memref_slice %arg5[%dma_start3A, %dma_start3A_11, %dma_start3A_12] : memref<2x128x128xf32, #tpu.memory_space<vmem>> -> memref<1x128x128xf32, #tpu.memory_space<vmem>>
    %dma_start3A_14 = tpu.memref_squeeze %dma_start3A_13 : memref<1x128x128xf32, #tpu.memory_space<vmem>> -> memref<128x128xf32, #tpu.memory_space<vmem>>
    %dma_start3A_15 = arith.constant 0 : i32
    %dma_start3A_16 = tpu.memref_slice %arg2[%add3A_4, %dma_start3A_15] : memref<16384x128xf32, #tpu.memory_space<hbm>> -> memref<128x128xf32, #tpu.memory_space<hbm>>
    tpu.enqueue_dma source(%dma_start3A_16 : memref<128x128xf32, #tpu.memory_space<hbm>>) target(%dma_start3A_14 : memref<128x128xf32, #tpu.memory_space<vmem>>) target_semaphore(%arg10 : memref<!tpu.dma_semaphore, #tpu.memory_space<semaphore_mem>>)
    %mul3A_17 = arith.constant 512 : i32
    %mul3A_18 = arith.muli %add3A, %mul3A_17 : i32
    %add3A_19 = arith.constant 128 : i32
    %add3A_20 = arith.addi %mul3A_18, %add3A_19 : i32
    %dma_start3A_21 = arith.constant 1 : i32
    %dma_start3A_22 = arith.constant 0 : i32
    %dma_start3A_23 = arith.constant 0 : i32
    %dma_start3A_24 = tpu.memref_slice %arg5[%dma_start3A_21, %dma_start3A_22, %dma_start3A_23] : memref<2x128x128xf32, #tpu.memory_space<vmem>> -> memref<1x128x128xf32, #tpu.memory_space<vmem>>
    %dma_start3A_25 = tpu.memref_squeeze %dma_start3A_24 : memref<1x128x128xf32, #tpu.memory_space<vmem>> -> memref<128x128xf32, #tpu.memory_space<vmem>>
    %dma_start3A_26 = arith.constant 0 : i32
    %dma_start3A_27 = tpu.memref_slice %arg2[%add3A_20, %dma_start3A_26] : memref<16384x128xf32, #tpu.memory_space<hbm>> -> memref<128x128xf32, #tpu.memory_space<hbm>>
    %dma_start3A_28 = arith.constant 0 : i32
    %dma_start3A_29 = arith.constant 0 : i32
    %dma_start3A_30 = tpu.memref_slice %arg5[%dma_start3A_21, %dma_start3A_28, %dma_start3A_29] : memref<2x128x128xf32, #tpu.memory_space<vmem>> -> memref<1x128x128xf32, #tpu.memory_space<vmem>>
    %dma_start3A_31 = tpu.memref_squeeze %dma_start3A_30 : memref<1x128x128xf32, #tpu.memory_space<vmem>> -> memref<128x128xf32, #tpu.memory_space<vmem>>
    %dma_start3A_32 = arith.constant 0 : i32
    %dma_start3A_33 = tpu.memref_slice %arg2[%add3A_20, %dma_start3A_32] : memref<16384x128xf32, #tpu.memory_space<hbm>> -> memref<128x128xf32, #tpu.memory_space<hbm>>
    tpu.enqueue_dma source(%dma_start3A_33 : memref<128x128xf32, #tpu.memory_space<hbm>>) target(%dma_start3A_31 : memref<128x128xf32, #tpu.memory_space<vmem>>) target_semaphore(%arg11 : memref<!tpu.dma_semaphore, #tpu.memory_space<semaphore_mem>>)
    %mul3A_34 = arith.constant 4 : i32
    %mul3A_35 = arith.muli %add3A, %mul3A_34 : i32
    "tpu.region"() ({
      %run_scoped3A = tpu.sem_alloc : memref<!tpu.dma_semaphore, #tpu.memory_space<semaphore_mem>>
      %dma_start3A_172 = arith.constant 0 : i32
      %dma_start3A_173 = tpu.memref_slice %arg3[%mul3A_35, %dma_start3A_172] : memref<128x128xi32, #tpu.memory_space<hbm>> -> memref<4x128xi32, #tpu.memory_space<hbm>>
      %dma_start3A_174 = arith.constant 0 : i32
      %dma_start3A_175 = tpu.memref_slice %arg3[%mul3A_35, %dma_start3A_174] : memref<128x128xi32, #tpu.memory_space<hbm>> -> memref<4x128xi32, #tpu.memory_space<hbm>>
      tpu.enqueue_dma source(%dma_start3A_175 : memref<4x128xi32, #tpu.memory_space<hbm>>) target(%arg6 : memref<4x128xi32, #tpu.memory_space<vmem>>) target_semaphore(%run_scoped3A : memref<!tpu.dma_semaphore, #tpu.memory_space<semaphore_mem>>)
      %dma_wait3A_176 = arith.constant 0 : i32
      %dma_wait3A_177 = tpu.memref_slice %arg3[%mul3A_35, %dma_wait3A_176] : memref<128x128xi32, #tpu.memory_space<hbm>> -> memref<4x128xi32, #tpu.memory_space<hbm>>
      %dma_wait3A_178 = arith.constant 0 : i32
      %dma_wait3A_179 = tpu.memref_slice %arg3[%mul3A_35, %dma_wait3A_178] : memref<128x128xi32, #tpu.memory_space<hbm>> -> memref<4x128xi32, #tpu.memory_space<hbm>>
      tpu.wait_dma2 semaphore(%run_scoped3A : memref<!tpu.dma_semaphore, #tpu.memory_space<semaphore_mem>>) src(%dma_wait3A_179 : memref<4x128xi32, #tpu.memory_space<hbm>>) dst(%arg6 : memref<4x128xi32, #tpu.memory_space<vmem>>)
      tpu.yield
    }) : () -> ()
    %scan3A = arith.constant 0 : i32
    %scan3A_36 = arith.constant 0 : i32
    %scan3A_37 = arith.constant 56 : i32
    %scan3A_38 = arith.addi %scan3A_36, %scan3A_37 : i32
    %scan3A_39 = arith.constant 1 : i32
    scf.for %scan3A_172 = %scan3A_36 to %scan3A_38 step %scan3A_39  : i32 {
      %jit3A = arith.constant 8 : i32
      %div3A = arith.divsi %scan3A_172, %jit3A : i32
      %sign3A = arith.constant 0 : i32
      %sign3A_173 = arith.cmpi sgt, %scan3A_172, %sign3A : i32
      %sign3A_174 = arith.extui %sign3A_173 : i1 to i32
      %sign3A_175 = arith.constant 0 : i32
      %sign3A_176 = arith.cmpi slt, %scan3A_172, %sign3A_175 : i32
      %sign3A_177 = arith.extui %sign3A_176 : i1 to i32
      %sign3A_178 = arith.subi %sign3A_174, %sign3A_177 : i32
      %sign3A_179 = arith.constant 0 : i32
      %sign3A_180 = arith.cmpi sgt, %jit3A, %sign3A_179 : i32
      %sign3A_181 = arith.extui %sign3A_180 : i1 to i32
      %sign3A_182 = arith.constant 0 : i32
      %sign3A_183 = arith.cmpi slt, %jit3A, %sign3A_182 : i32
      %sign3A_184 = arith.extui %sign3A_183 : i1 to i32
      %sign3A_185 = arith.subi %sign3A_181, %sign3A_184 : i32
      %ne3A = arith.cmpi ne, %sign3A_178, %sign3A_185 : i32
      %rem3A = arith.remsi %scan3A_172, %jit3A : i32
      %ne3A_186 = arith.constant 0 : i32
      %ne3A_187 = arith.cmpi ne, %rem3A, %ne3A_186 : i32
      %and3A = arith.andi %ne3A, %ne3A_187 : i1
      %sub3A = arith.constant 1 : i32
      %sub3A_188 = arith.subi %div3A, %sub3A : i32
      %select_n3A = arith.select %and3A, %sub3A_188, %div3A : i32
      %jit3A_189 = arith.constant 8 : i32
      %eq3A = arith.constant 0 : i32
      %eq3A_190 = arith.cmpi eq, %jit3A_189, %eq3A : i32
      %jit3A_191 = arith.constant 1 : i32
      %select_n3A_192 = arith.select %eq3A_190, %jit3A_191, %jit3A_189 : i32
      %rem3A_193 = arith.remsi %scan3A_172, %select_n3A_192 : i32
      %ne3A_194 = arith.constant 0 : i32
      %ne3A_195 = arith.cmpi ne, %rem3A_193, %ne3A_194 : i32
      %lt3A_196 = arith.constant 0 : i32
      %lt3A_197 = arith.cmpi slt, %rem3A_193, %lt3A_196 : i32
      %lt3A_198 = arith.constant 0 : i32
      %lt3A_199 = arith.cmpi slt, %select_n3A_192, %lt3A_198 : i32
      %ne3A_200 = arith.xori %lt3A_197, %lt3A_199 : i1
      %and3A_201 = arith.andi %ne3A_200, %ne3A_195 : i1
      %add3A_202 = arith.addi %rem3A_193, %select_n3A_192 : i32
      %select_n3A_203 = arith.select %and3A_201, %add3A_202, %rem3A_193 : i32
      %broadcast_in_dim3A = arith.constant 0.000000e+00 : f32
      %broadcast_in_dim3A_204 = vector.broadcast %broadcast_in_dim3A : f32 to vector<16xf32>
      %mul3A_205 = arith.constant 16 : i32
      %mul3A_206 = arith.muli %select_n3A_203, %mul3A_205 : i32
      %swap3A = arith.index_cast %select_n3A : i32 to index
      %swap3A_207 = arith.index_cast %mul3A_206 : i32 to index
      %swap3A_208 = tpu.vector_load %arg7[%swap3A, %swap3A_207] {strides = array<i32>} : memref<7x128xf32, #tpu.memory_space<vmem>>, vector<1x16xf32>,
      %swap3A_209 = vector.shape_cast %swap3A_208 : vector<1x16xf32> to vector<16xf32>
      %swap3A_210 = vector.shape_cast %broadcast_in_dim3A_204 : vector<16xf32> to vector<1x16xf32>
      tpu.vector_store %arg7[%swap3A, %swap3A_207], %swap3A_210 {strides = array<i32>} : memref<7x128xf32, #tpu.memory_space<vmem>>, vector<1x16xf32>,
    }
    %scan3A_40 = arith.constant 56 : i32
    %mul3A_41 = arith.constant 7 : i32
    %mul3A_42 = arith.muli %arg1, %mul3A_41 : i32
    "tpu.region"() ({
      %run_scoped3A = tpu.sem_alloc : memref<!tpu.dma_semaphore, #tpu.memory_space<semaphore_mem>>
      %dma_start3A_172 = arith.constant 0 : i32
      %dma_start3A_173 = tpu.memref_slice %arg8[%mul3A_42, %dma_start3A_172] : memref<112x128xf32, #tpu.memory_space<vmem_shared>> -> memref<7x128xf32, #tpu.memory_space<vmem_shared>>
      %dma_start3A_174 = arith.constant 0 : i32
      %dma_start3A_175 = tpu.memref_slice %arg8[%mul3A_42, %dma_start3A_174] : memref<112x128xf32, #tpu.memory_space<vmem_shared>> -> memref<7x128xf32, #tpu.memory_space<vmem_shared>>
      tpu.enqueue_dma source(%arg7 : memref<7x128xf32, #tpu.memory_space<vmem>>) target(%dma_start3A_175 : memref<7x128xf32, #tpu.memory_space<vmem_shared>>) target_semaphore(%run_scoped3A : memref<!tpu.dma_semaphore, #tpu.memory_space<semaphore_mem>>)
      %dma_wait3A_176 = arith.constant 0 : i32
      %dma_wait3A_177 = tpu.memref_slice %arg8[%mul3A_42, %dma_wait3A_176] : memref<112x128xf32, #tpu.memory_space<vmem_shared>> -> memref<7x128xf32, #tpu.memory_space<vmem_shared>>
      %dma_wait3A_178 = arith.constant 0 : i32
      %dma_wait3A_179 = tpu.memref_slice %arg8[%mul3A_42, %dma_wait3A_178] : memref<112x128xf32, #tpu.memory_space<vmem_shared>> -> memref<7x128xf32, #tpu.memory_space<vmem_shared>>
      tpu.wait_dma2 semaphore(%run_scoped3A : memref<!tpu.dma_semaphore, #tpu.memory_space<semaphore_mem>>) src(%arg7 : memref<7x128xf32, #tpu.memory_space<vmem>>) dst(%dma_wait3A_179 : memref<7x128xf32, #tpu.memory_space<vmem_shared>>)
      tpu.yield
    }) : () -> ()
    %mul3A_43 = arith.constant 7 : i32
    %mul3A_44 = arith.muli %arg1, %mul3A_43 : i32
    "tpu.region"() ({
      %run_scoped3A = tpu.sem_alloc : memref<!tpu.dma_semaphore, #tpu.memory_space<semaphore_mem>>
      %dma_start3A_172 = arith.constant 0 : i32
      %dma_start3A_173 = tpu.memref_slice %arg9[%mul3A_44, %dma_start3A_172] : memref<112x128xf32, #tpu.memory_space<vmem_shared>> -> memref<7x128xf32, #tpu.memory_space<vmem_shared>>
      %dma_start3A_174 = arith.constant 0 : i32
      %dma_start3A_175 = tpu.memref_slice %arg9[%mul3A_44, %dma_start3A_174] : memref<112x128xf32, #tpu.memory_space<vmem_shared>> -> memref<7x128xf32, #tpu.memory_space<vmem_shared>>
      tpu.enqueue_dma source(%arg7 : memref<7x128xf32, #tpu.memory_space<vmem>>) target(%dma_start3A_175 : memref<7x128xf32, #tpu.memory_space<vmem_shared>>) target_semaphore(%run_scoped3A : memref<!tpu.dma_semaphore, #tpu.memory_space<semaphore_mem>>)
      %dma_wait3A_176 = arith.constant 0 : i32
      %dma_wait3A_177 = tpu.memref_slice %arg9[%mul3A_44, %dma_wait3A_176] : memref<112x128xf32, #tpu.memory_space<vmem_shared>> -> memref<7x128xf32, #tpu.memory_space<vmem_shared>>
      %dma_wait3A_178 = arith.constant 0 : i32
      %dma_wait3A_179 = tpu.memref_slice %arg9[%mul3A_44, %dma_wait3A_178] : memref<112x128xf32, #tpu.memory_space<vmem_shared>> -> memref<7x128xf32, #tpu.memory_space<vmem_shared>>
      tpu.wait_dma2 semaphore(%run_scoped3A : memref<!tpu.dma_semaphore, #tpu.memory_space<semaphore_mem>>) src(%arg7 : memref<7x128xf32, #tpu.memory_space<vmem>>) dst(%dma_wait3A_179 : memref<7x128xf32, #tpu.memory_space<vmem_shared>>)
      tpu.yield
    }) : () -> ()
    %barrier3A = arith.constant 0 : index
    tpu.barrier barrier_id(%barrier3A)
    %dma_wait3A = arith.constant 0 : i32
    %dma_wait3A_45 = arith.constant 0 : i32
    %dma_wait3A_46 = arith.constant 0 : i32
    %dma_wait3A_47 = tpu.memref_slice %arg5[%dma_wait3A, %dma_wait3A_45, %dma_wait3A_46] : memref<2x128x128xf32, #tpu.memory_space<vmem>> -> memref<1x128x128xf32, #tpu.memory_space<vmem>>
    %dma_wait3A_48 = tpu.memref_squeeze %dma_wait3A_47 : memref<1x128x128xf32, #tpu.memory_space<vmem>> -> memref<128x128xf32, #tpu.memory_space<vmem>>
    %dma_wait3A_49 = arith.constant 0 : i32
    %dma_wait3A_50 = tpu.memref_slice %arg2[%add3A_4, %dma_wait3A_49] : memref<16384x128xf32, #tpu.memory_space<hbm>> -> memref<128x128xf32, #tpu.memory_space<hbm>>
    %dma_wait3A_51 = arith.constant 0 : i32
    %dma_wait3A_52 = arith.constant 0 : i32
    %dma_wait3A_53 = tpu.memref_slice %arg5[%dma_wait3A, %dma_wait3A_51, %dma_wait3A_52] : memref<2x128x128xf32, #tpu.memory_space<vmem>> -> memref<1x128x128xf32, #tpu.memory_space<vmem>>
    %dma_wait3A_54 = tpu.memref_squeeze %dma_wait3A_53 : memref<1x128x128xf32, #tpu.memory_space<vmem>> -> memref<128x128xf32, #tpu.memory_space<vmem>>
    %dma_wait3A_55 = arith.constant 0 : i32
    %dma_wait3A_56 = tpu.memref_slice %arg2[%add3A_4, %dma_wait3A_55] : memref<16384x128xf32, #tpu.memory_space<hbm>> -> memref<128x128xf32, #tpu.memory_space<hbm>>
    tpu.wait_dma2 semaphore(%arg10 : memref<!tpu.dma_semaphore, #tpu.memory_space<semaphore_mem>>) src(%dma_wait3A_56 : memref<128x128xf32, #tpu.memory_space<hbm>>) dst(%dma_wait3A_54 : memref<128x128xf32, #tpu.memory_space<vmem>>)
    %lt3A = arith.constant 8 : i32
    %lt3A_57 = arith.cmpi slt, %arg1, %lt3A : i32
    %convert_element_type3A = arith.extui %lt3A_57 : i1 to i32
    %cond3A = arith.constant 0 : i32
    %cond3A_58 = arith.cmpi ne, %convert_element_type3A, %cond3A : i32
    scf.if %cond3A_58 {
      %run_scoped3A = arith.constant 0 : i32
      %run_scoped3A_172 = arith.constant 0 : i32
      "tpu.region"() ({
        %run_scoped3A_173 = tpu.sem_alloc : memref<!tpu.dma_semaphore, #tpu.memory_space<semaphore_mem>>
        %dma_start3A_174 = arith.constant 0 : i32
        %dma_start3A_175 = arith.constant 0 : i32
        %dma_start3A_176 = tpu.memref_slice %arg5[%run_scoped3A, %dma_start3A_174, %dma_start3A_175] : memref<2x128x128xf32, #tpu.memory_space<vmem>> -> memref<1x128x128xf32, #tpu.memory_space<vmem>>
        %dma_start3A_177 = tpu.memref_squeeze %dma_start3A_176 : memref<1x128x128xf32, #tpu.memory_space<vmem>> -> memref<128x128xf32, #tpu.memory_space<vmem>>
        %dma_start3A_178 = arith.constant 0 : i32
        %dma_start3A_179 = tpu.memref_slice %arg6[%run_scoped3A_172, %dma_start3A_178] : memref<4x128xi32, #tpu.memory_space<vmem>> -> memref<1x128xi32, #tpu.memory_space<vmem>>
        %dma_start3A_180 = tpu.memref_squeeze %dma_start3A_179 : memref<1x128xi32, #tpu.memory_space<vmem>> -> memref<128xi32, #tpu.memory_space<vmem>>
        %dma_start3A_181 = arith.constant 0 : i32
        %dma_start3A_182 = arith.constant 0 : i32
        %dma_start3A_183 = tpu.memref_slice %arg8[%dma_start3A_181, %dma_start3A_182] : memref<112x128xf32, #tpu.memory_space<vmem_shared>> -> memref<112x128xf32, #tpu.memory_space<vmem_shared>>
        tpu.enqueue_indirect_dma source(%dma_start3A_177 : memref<128x128xf32, #tpu.memory_space<vmem>>) target(%dma_start3A_183 : memref<112x128xf32, #tpu.memory_space<vmem_shared>>) offsets(%dma_start3A_180 : memref<128xi32, #tpu.memory_space<vmem>>) semaphore(%run_scoped3A_173 : memref<!tpu.dma_semaphore, #tpu.memory_space<semaphore_mem>>) {add = true}
        %dma_wait3A_184 = arith.constant 0 : i32
        %dma_wait3A_185 = arith.constant 0 : i32
        %dma_wait3A_186 = tpu.memref_slice %arg5[%run_scoped3A, %dma_wait3A_184, %dma_wait3A_185] : memref<2x128x128xf32, #tpu.memory_space<vmem>> -> memref<1x128x128xf32, #tpu.memory_space<vmem>>
        %dma_wait3A_187 = tpu.memref_squeeze %dma_wait3A_186 : memref<1x128x128xf32, #tpu.memory_space<vmem>> -> memref<128x128xf32, #tpu.memory_space<vmem>>
        %dma_wait3A_188 = arith.constant 0 : i32
        %dma_wait3A_189 = tpu.memref_slice %arg6[%run_scoped3A_172, %dma_wait3A_188] : memref<4x128xi32, #tpu.memory_space<vmem>> -> memref<1x128xi32, #tpu.memory_space<vmem>>
        %dma_wait3A_190 = tpu.memref_squeeze %dma_wait3A_189 : memref<1x128xi32, #tpu.memory_space<vmem>> -> memref<128xi32, #tpu.memory_space<vmem>>
        %dma_wait3A_191 = arith.constant 0 : i32
        %dma_wait3A_192 = arith.constant 0 : i32
        %dma_wait3A_193 = tpu.memref_slice %arg8[%dma_wait3A_191, %dma_wait3A_192] : memref<112x128xf32, #tpu.memory_space<vmem_shared>> -> memref<112x128xf32, #tpu.memory_space<vmem_shared>>
        tpu.wait_indirect_dma semaphore(%run_scoped3A_173 : memref<!tpu.dma_semaphore, #tpu.memory_space<semaphore_mem>>) src(%dma_wait3A_187 : memref<128x128xf32, #tpu.memory_space<vmem>>) dst(%dma_wait3A_193 : memref<112x128xf32, #tpu.memory_space<vmem_shared>>)
        tpu.yield
      }) : () -> ()
    } else {
    }
    %ge3A = arith.constant 8 : i32
    %ge3A_59 = arith.cmpi sge, %arg1, %ge3A : i32
    %convert_element_type3A_60 = arith.extui %ge3A_59 : i1 to i32
    %cond3A_61 = arith.constant 0 : i32
    %cond3A_62 = arith.cmpi ne, %convert_element_type3A_60, %cond3A_61 : i32
    scf.if %cond3A_62 {
      %run_scoped3A = arith.constant 0 : i32
      %run_scoped3A_172 = arith.constant 0 : i32
      "tpu.region"() ({
        %run_scoped3A_173 = tpu.sem_alloc : memref<!tpu.dma_semaphore, #tpu.memory_space<semaphore_mem>>
        %dma_start3A_174 = arith.constant 0 : i32
        %dma_start3A_175 = arith.constant 0 : i32
        %dma_start3A_176 = tpu.memref_slice %arg5[%run_scoped3A, %dma_start3A_174, %dma_start3A_175] : memref<2x128x128xf32, #tpu.memory_space<vmem>> -> memref<1x128x128xf32, #tpu.memory_space<vmem>>
        %dma_start3A_177 = tpu.memref_squeeze %dma_start3A_176 : memref<1x128x128xf32, #tpu.memory_space<vmem>> -> memref<128x128xf32, #tpu.memory_space<vmem>>
        %dma_start3A_178 = arith.constant 0 : i32
        %dma_start3A_179 = tpu.memref_slice %arg6[%run_scoped3A_172, %dma_start3A_178] : memref<4x128xi32, #tpu.memory_space<vmem>> -> memref<1x128xi32, #tpu.memory_space<vmem>>
        %dma_start3A_180 = tpu.memref_squeeze %dma_start3A_179 : memref<1x128xi32, #tpu.memory_space<vmem>> -> memref<128xi32, #tpu.memory_space<vmem>>
        %dma_start3A_181 = arith.constant 0 : i32
        %dma_start3A_182 = arith.constant 0 : i32
        %dma_start3A_183 = tpu.memref_slice %arg9[%dma_start3A_181, %dma_start3A_182] : memref<112x128xf32, #tpu.memory_space<vmem_shared>> -> memref<112x128xf32, #tpu.memory_space<vmem_shared>>
        tpu.enqueue_indirect_dma source(%dma_start3A_177 : memref<128x128xf32, #tpu.memory_space<vmem>>) target(%dma_start3A_183 : memref<112x128xf32, #tpu.memory_space<vmem_shared>>) offsets(%dma_start3A_180 : memref<128xi32, #tpu.memory_space<vmem>>) semaphore(%run_scoped3A_173 : memref<!tpu.dma_semaphore, #tpu.memory_space<semaphore_mem>>) {add = true}
        %dma_wait3A_184 = arith.constant 0 : i32
        %dma_wait3A_185 = arith.constant 0 : i32
        %dma_wait3A_186 = tpu.memref_slice %arg5[%run_scoped3A, %dma_wait3A_184, %dma_wait3A_185] : memref<2x128x128xf32, #tpu.memory_space<vmem>> -> memref<1x128x128xf32, #tpu.memory_space<vmem>>
        %dma_wait3A_187 = tpu.memref_squeeze %dma_wait3A_186 : memref<1x128x128xf32, #tpu.memory_space<vmem>> -> memref<128x128xf32, #tpu.memory_space<vmem>>
        %dma_wait3A_188 = arith.constant 0 : i32
        %dma_wait3A_189 = tpu.memref_slice %arg6[%run_scoped3A_172, %dma_wait3A_188] : memref<4x128xi32, #tpu.memory_space<vmem>> -> memref<1x128xi32, #tpu.memory_space<vmem>>
        %dma_wait3A_190 = tpu.memref_squeeze %dma_wait3A_189 : memref<1x128xi32, #tpu.memory_space<vmem>> -> memref<128xi32, #tpu.memory_space<vmem>>
        %dma_wait3A_191 = arith.constant 0 : i32
        %dma_wait3A_192 = arith.constant 0 : i32
        %dma_wait3A_193 = tpu.memref_slice %arg9[%dma_wait3A_191, %dma_wait3A_192] : memref<112x128xf32, #tpu.memory_space<vmem_shared>> -> memref<112x128xf32, #tpu.memory_space<vmem_shared>>
        tpu.wait_indirect_dma semaphore(%run_scoped3A_173 : memref<!tpu.dma_semaphore, #tpu.memory_space<semaphore_mem>>) src(%dma_wait3A_187 : memref<128x128xf32, #tpu.memory_space<vmem>>) dst(%dma_wait3A_193 : memref<112x128xf32, #tpu.memory_space<vmem_shared>>)
        tpu.yield
      }) : () -> ()
    } else {
    }
    %mul3A_63 = arith.constant 512 : i32
    %mul3A_64 = arith.muli %add3A, %mul3A_63 : i32
    %add3A_65 = arith.constant 256 : i32
    %add3A_66 = arith.addi %mul3A_64, %add3A_65 : i32
    %dma_start3A_67 = arith.constant 0 : i32
    %dma_start3A_68 = arith.constant 0 : i32
    %dma_start3A_69 = arith.constant 0 : i32
    %dma_start3A_70 = tpu.memref_slice %arg5[%dma_start3A_67, %dma_start3A_68, %dma_start3A_69] : memref<2x128x128xf32, #tpu.memory_space<vmem>> -> memref<1x128x128xf32, #tpu.memory_space<vmem>>
    %dma_start3A_71 = tpu.memref_squeeze %dma_start3A_70 : memref<1x128x128xf32, #tpu.memory_space<vmem>> -> memref<128x128xf32, #tpu.memory_space<vmem>>
    %dma_start3A_72 = arith.constant 0 : i32
    %dma_start3A_73 = tpu.memref_slice %arg2[%add3A_66, %dma_start3A_72] : memref<16384x128xf32, #tpu.memory_space<hbm>> -> memref<128x128xf32, #tpu.memory_space<hbm>>
    %dma_start3A_74 = arith.constant 0 : i32
    %dma_start3A_75 = arith.constant 0 : i32
    %dma_start3A_76 = tpu.memref_slice %arg5[%dma_start3A_67, %dma_start3A_74, %dma_start3A_75] : memref<2x128x128xf32, #tpu.memory_space<vmem>> -> memref<1x128x128xf32, #tpu.memory_space<vmem>>
    %dma_start3A_77 = tpu.memref_squeeze %dma_start3A_76 : memref<1x128x128xf32, #tpu.memory_space<vmem>> -> memref<128x128xf32, #tpu.memory_space<vmem>>
    %dma_start3A_78 = arith.constant 0 : i32
    %dma_start3A_79 = tpu.memref_slice %arg2[%add3A_66, %dma_start3A_78] : memref<16384x128xf32, #tpu.memory_space<hbm>> -> memref<128x128xf32, #tpu.memory_space<hbm>>
    tpu.enqueue_dma source(%dma_start3A_79 : memref<128x128xf32, #tpu.memory_space<hbm>>) target(%dma_start3A_77 : memref<128x128xf32, #tpu.memory_space<vmem>>) target_semaphore(%arg10 : memref<!tpu.dma_semaphore, #tpu.memory_space<semaphore_mem>>)
    %dma_wait3A_80 = arith.constant 1 : i32
    %dma_wait3A_81 = arith.constant 0 : i32
    %dma_wait3A_82 = arith.constant 0 : i32
    %dma_wait3A_83 = tpu.memref_slice %arg5[%dma_wait3A_80, %dma_wait3A_81, %dma_wait3A_82] : memref<2x128x128xf32, #tpu.memory_space<vmem>> -> memref<1x128x128xf32, #tpu.memory_space<vmem>>
    %dma_wait3A_84 = tpu.memref_squeeze %dma_wait3A_83 : memref<1x128x128xf32, #tpu.memory_space<vmem>> -> memref<128x128xf32, #tpu.memory_space<vmem>>
    %dma_wait3A_85 = arith.constant 0 : i32
    %dma_wait3A_86 = tpu.memref_slice %arg2[%add3A_20, %dma_wait3A_85] : memref<16384x128xf32, #tpu.memory_space<hbm>> -> memref<128x128xf32, #tpu.memory_space<hbm>>
    %dma_wait3A_87 = arith.constant 0 : i32
    %dma_wait3A_88 = arith.constant 0 : i32
    %dma_wait3A_89 = tpu.memref_slice %arg5[%dma_wait3A_80, %dma_wait3A_87, %dma_wait3A_88] : memref<2x128x128xf32, #tpu.memory_space<vmem>> -> memref<1x128x128xf32, #tpu.memory_space<vmem>>
    %dma_wait3A_90 = tpu.memref_squeeze %dma_wait3A_89 : memref<1x128x128xf32, #tpu.memory_space<vmem>> -> memref<128x128xf32, #tpu.memory_space<vmem>>
    %dma_wait3A_91 = arith.constant 0 : i32
    %dma_wait3A_92 = tpu.memref_slice %arg2[%add3A_20, %dma_wait3A_91] : memref<16384x128xf32, #tpu.memory_space<hbm>> -> memref<128x128xf32, #tpu.memory_space<hbm>>
    tpu.wait_dma2 semaphore(%arg11 : memref<!tpu.dma_semaphore, #tpu.memory_space<semaphore_mem>>) src(%dma_wait3A_92 : memref<128x128xf32, #tpu.memory_space<hbm>>) dst(%dma_wait3A_90 : memref<128x128xf32, #tpu.memory_space<vmem>>)
    %lt3A_93 = arith.constant 8 : i32
    %lt3A_94 = arith.cmpi slt, %arg1, %lt3A_93 : i32
    %convert_element_type3A_95 = arith.extui %lt3A_94 : i1 to i32
    %cond3A_96 = arith.constant 0 : i32
    %cond3A_97 = arith.cmpi ne, %convert_element_type3A_95, %cond3A_96 : i32
    scf.if %cond3A_97 {
      %run_scoped3A = arith.constant 1 : i32
      %run_scoped3A_172 = arith.constant 1 : i32
      "tpu.region"() ({
        %run_scoped3A_173 = tpu.sem_alloc : memref<!tpu.dma_semaphore, #tpu.memory_space<semaphore_mem>>
        %dma_start3A_174 = arith.constant 0 : i32
        %dma_start3A_175 = arith.constant 0 : i32
        %dma_start3A_176 = tpu.memref_slice %arg5[%run_scoped3A, %dma_start3A_174, %dma_start3A_175] : memref<2x128x128xf32, #tpu.memory_space<vmem>> -> memref<1x128x128xf32, #tpu.memory_space<vmem>>
        %dma_start3A_177 = tpu.memref_squeeze %dma_start3A_176 : memref<1x128x128xf32, #tpu.memory_space<vmem>> -> memref<128x128xf32, #tpu.memory_space<vmem>>
        %dma_start3A_178 = arith.constant 0 : i32
        %dma_start3A_179 = tpu.memref_slice %arg6[%run_scoped3A_172, %dma_start3A_178] : memref<4x128xi32, #tpu.memory_space<vmem>> -> memref<1x128xi32, #tpu.memory_space<vmem>>
        %dma_start3A_180 = tpu.memref_squeeze %dma_start3A_179 : memref<1x128xi32, #tpu.memory_space<vmem>> -> memref<128xi32, #tpu.memory_space<vmem>>
        %dma_start3A_181 = arith.constant 0 : i32
        %dma_start3A_182 = arith.constant 0 : i32
        %dma_start3A_183 = tpu.memref_slice %arg8[%dma_start3A_181, %dma_start3A_182] : memref<112x128xf32, #tpu.memory_space<vmem_shared>> -> memref<112x128xf32, #tpu.memory_space<vmem_shared>>
        tpu.enqueue_indirect_dma source(%dma_start3A_177 : memref<128x128xf32, #tpu.memory_space<vmem>>) target(%dma_start3A_183 : memref<112x128xf32, #tpu.memory_space<vmem_shared>>) offsets(%dma_start3A_180 : memref<128xi32, #tpu.memory_space<vmem>>) semaphore(%run_scoped3A_173 : memref<!tpu.dma_semaphore, #tpu.memory_space<semaphore_mem>>) {add = true}
        %dma_wait3A_184 = arith.constant 0 : i32
        %dma_wait3A_185 = arith.constant 0 : i32
        %dma_wait3A_186 = tpu.memref_slice %arg5[%run_scoped3A, %dma_wait3A_184, %dma_wait3A_185] : memref<2x128x128xf32, #tpu.memory_space<vmem>> -> memref<1x128x128xf32, #tpu.memory_space<vmem>>
        %dma_wait3A_187 = tpu.memref_squeeze %dma_wait3A_186 : memref<1x128x128xf32, #tpu.memory_space<vmem>> -> memref<128x128xf32, #tpu.memory_space<vmem>>
        %dma_wait3A_188 = arith.constant 0 : i32
        %dma_wait3A_189 = tpu.memref_slice %arg6[%run_scoped3A_172, %dma_wait3A_188] : memref<4x128xi32, #tpu.memory_space<vmem>> -> memref<1x128xi32, #tpu.memory_space<vmem>>
        %dma_wait3A_190 = tpu.memref_squeeze %dma_wait3A_189 : memref<1x128xi32, #tpu.memory_space<vmem>> -> memref<128xi32, #tpu.memory_space<vmem>>
        %dma_wait3A_191 = arith.constant 0 : i32
        %dma_wait3A_192 = arith.constant 0 : i32
        %dma_wait3A_193 = tpu.memref_slice %arg8[%dma_wait3A_191, %dma_wait3A_192] : memref<112x128xf32, #tpu.memory_space<vmem_shared>> -> memref<112x128xf32, #tpu.memory_space<vmem_shared>>
        tpu.wait_indirect_dma semaphore(%run_scoped3A_173 : memref<!tpu.dma_semaphore, #tpu.memory_space<semaphore_mem>>) src(%dma_wait3A_187 : memref<128x128xf32, #tpu.memory_space<vmem>>) dst(%dma_wait3A_193 : memref<112x128xf32, #tpu.memory_space<vmem_shared>>)
        tpu.yield
      }) : () -> ()
    } else {
    }
    %ge3A_98 = arith.constant 8 : i32
    %ge3A_99 = arith.cmpi sge, %arg1, %ge3A_98 : i32
    %convert_element_type3A_100 = arith.extui %ge3A_99 : i1 to i32
    %cond3A_101 = arith.constant 0 : i32
    %cond3A_102 = arith.cmpi ne, %convert_element_type3A_100, %cond3A_101 : i32
    scf.if %cond3A_102 {
      %run_scoped3A = arith.constant 1 : i32
      %run_scoped3A_172 = arith.constant 1 : i32
      "tpu.region"() ({
        %run_scoped3A_173 = tpu.sem_alloc : memref<!tpu.dma_semaphore, #tpu.memory_space<semaphore_mem>>
        %dma_start3A_174 = arith.constant 0 : i32
        %dma_start3A_175 = arith.constant 0 : i32
        %dma_start3A_176 = tpu.memref_slice %arg5[%run_scoped3A, %dma_start3A_174, %dma_start3A_175] : memref<2x128x128xf32, #tpu.memory_space<vmem>> -> memref<1x128x128xf32, #tpu.memory_space<vmem>>
        %dma_start3A_177 = tpu.memref_squeeze %dma_start3A_176 : memref<1x128x128xf32, #tpu.memory_space<vmem>> -> memref<128x128xf32, #tpu.memory_space<vmem>>
        %dma_start3A_178 = arith.constant 0 : i32
        %dma_start3A_179 = tpu.memref_slice %arg6[%run_scoped3A_172, %dma_start3A_178] : memref<4x128xi32, #tpu.memory_space<vmem>> -> memref<1x128xi32, #tpu.memory_space<vmem>>
        %dma_start3A_180 = tpu.memref_squeeze %dma_start3A_179 : memref<1x128xi32, #tpu.memory_space<vmem>> -> memref<128xi32, #tpu.memory_space<vmem>>
        %dma_start3A_181 = arith.constant 0 : i32
        %dma_start3A_182 = arith.constant 0 : i32
        %dma_start3A_183 = tpu.memref_slice %arg9[%dma_start3A_181, %dma_start3A_182] : memref<112x128xf32, #tpu.memory_space<vmem_shared>> -> memref<112x128xf32, #tpu.memory_space<vmem_shared>>
        tpu.enqueue_indirect_dma source(%dma_start3A_177 : memref<128x128xf32, #tpu.memory_space<vmem>>) target(%dma_start3A_183 : memref<112x128xf32, #tpu.memory_space<vmem_shared>>) offsets(%dma_start3A_180 : memref<128xi32, #tpu.memory_space<vmem>>) semaphore(%run_scoped3A_173 : memref<!tpu.dma_semaphore, #tpu.memory_space<semaphore_mem>>) {add = true}
        %dma_wait3A_184 = arith.constant 0 : i32
        %dma_wait3A_185 = arith.constant 0 : i32
        %dma_wait3A_186 = tpu.memref_slice %arg5[%run_scoped3A, %dma_wait3A_184, %dma_wait3A_185] : memref<2x128x128xf32, #tpu.memory_space<vmem>> -> memref<1x128x128xf32, #tpu.memory_space<vmem>>
        %dma_wait3A_187 = tpu.memref_squeeze %dma_wait3A_186 : memref<1x128x128xf32, #tpu.memory_space<vmem>> -> memref<128x128xf32, #tpu.memory_space<vmem>>
        %dma_wait3A_188 = arith.constant 0 : i32
        %dma_wait3A_189 = tpu.memref_slice %arg6[%run_scoped3A_172, %dma_wait3A_188] : memref<4x128xi32, #tpu.memory_space<vmem>> -> memref<1x128xi32, #tpu.memory_space<vmem>>
        %dma_wait3A_190 = tpu.memref_squeeze %dma_wait3A_189 : memref<1x128xi32, #tpu.memory_space<vmem>> -> memref<128xi32, #tpu.memory_space<vmem>>
        %dma_wait3A_191 = arith.constant 0 : i32
        %dma_wait3A_192 = arith.constant 0 : i32
        %dma_wait3A_193 = tpu.memref_slice %arg9[%dma_wait3A_191, %dma_wait3A_192] : memref<112x128xf32, #tpu.memory_space<vmem_shared>> -> memref<112x128xf32, #tpu.memory_space<vmem_shared>>
        tpu.wait_indirect_dma semaphore(%run_scoped3A_173 : memref<!tpu.dma_semaphore, #tpu.memory_space<semaphore_mem>>) src(%dma_wait3A_187 : memref<128x128xf32, #tpu.memory_space<vmem>>) dst(%dma_wait3A_193 : memref<112x128xf32, #tpu.memory_space<vmem_shared>>)
        tpu.yield
      }) : () -> ()
    } else {
    }
    %mul3A_103 = arith.constant 512 : i32
    %mul3A_104 = arith.muli %add3A, %mul3A_103 : i32
    %add3A_105 = arith.constant 384 : i32
    %add3A_106 = arith.addi %mul3A_104, %add3A_105 : i32
    %dma_start3A_107 = arith.constant 1 : i32
    %dma_start3A_108 = arith.constant 0 : i32
    %dma_start3A_109 = arith.constant 0 : i32
    %dma_start3A_110 = tpu.memref_slice %arg5[%dma_start3A_107, %dma_start3A_108, %dma_start3A_109] : memref<2x128x128xf32, #tpu.memory_space<vmem>> -> memref<1x128x128xf32, #tpu.memory_space<vmem>>
    %dma_start3A_111 = tpu.memref_squeeze %dma_start3A_110 : memref<1x128x128xf32, #tpu.memory_space<vmem>> -> memref<128x128xf32, #tpu.memory_space<vmem>>
    %dma_start3A_112 = arith.constant 0 : i32
    %dma_start3A_113 = tpu.memref_slice %arg2[%add3A_106, %dma_start3A_112] : memref<16384x128xf32, #tpu.memory_space<hbm>> -> memref<128x128xf32, #tpu.memory_space<hbm>>
    %dma_start3A_114 = arith.constant 0 : i32
    %dma_start3A_115 = arith.constant 0 : i32
    %dma_start3A_116 = tpu.memref_slice %arg5[%dma_start3A_107, %dma_start3A_114, %dma_start3A_115] : memref<2x128x128xf32, #tpu.memory_space<vmem>> -> memref<1x128x128xf32, #tpu.memory_space<vmem>>
    %dma_start3A_117 = tpu.memref_squeeze %dma_start3A_116 : memref<1x128x128xf32, #tpu.memory_space<vmem>> -> memref<128x128xf32, #tpu.memory_space<vmem>>
    %dma_start3A_118 = arith.constant 0 : i32
    %dma_start3A_119 = tpu.memref_slice %arg2[%add3A_106, %dma_start3A_118] : memref<16384x128xf32, #tpu.memory_space<hbm>> -> memref<128x128xf32, #tpu.memory_space<hbm>>
    tpu.enqueue_dma source(%dma_start3A_119 : memref<128x128xf32, #tpu.memory_space<hbm>>) target(%dma_start3A_117 : memref<128x128xf32, #tpu.memory_space<vmem>>) target_semaphore(%arg11 : memref<!tpu.dma_semaphore, #tpu.memory_space<semaphore_mem>>)
    %dma_wait3A_120 = arith.constant 0 : i32
    %dma_wait3A_121 = arith.constant 0 : i32
    %dma_wait3A_122 = arith.constant 0 : i32
    %dma_wait3A_123 = tpu.memref_slice %arg5[%dma_wait3A_120, %dma_wait3A_121, %dma_wait3A_122] : memref<2x128x128xf32, #tpu.memory_space<vmem>> -> memref<1x128x128xf32, #tpu.memory_space<vmem>>
    %dma_wait3A_124 = tpu.memref_squeeze %dma_wait3A_123 : memref<1x128x128xf32, #tpu.memory_space<vmem>> -> memref<128x128xf32, #tpu.memory_space<vmem>>
    %dma_wait3A_125 = arith.constant 0 : i32
    %dma_wait3A_126 = tpu.memref_slice %arg2[%add3A_66, %dma_wait3A_125] : memref<16384x128xf32, #tpu.memory_space<hbm>> -> memref<128x128xf32, #tpu.memory_space<hbm>>
    %dma_wait3A_127 = arith.constant 0 : i32
    %dma_wait3A_128 = arith.constant 0 : i32
    %dma_wait3A_129 = tpu.memref_slice %arg5[%dma_wait3A_120, %dma_wait3A_127, %dma_wait3A_128] : memref<2x128x128xf32, #tpu.memory_space<vmem>> -> memref<1x128x128xf32, #tpu.memory_space<vmem>>
    %dma_wait3A_130 = tpu.memref_squeeze %dma_wait3A_129 : memref<1x128x128xf32, #tpu.memory_space<vmem>> -> memref<128x128xf32, #tpu.memory_space<vmem>>
    %dma_wait3A_131 = arith.constant 0 : i32
    %dma_wait3A_132 = tpu.memref_slice %arg2[%add3A_66, %dma_wait3A_131] : memref<16384x128xf32, #tpu.memory_space<hbm>> -> memref<128x128xf32, #tpu.memory_space<hbm>>
    tpu.wait_dma2 semaphore(%arg10 : memref<!tpu.dma_semaphore, #tpu.memory_space<semaphore_mem>>) src(%dma_wait3A_132 : memref<128x128xf32, #tpu.memory_space<hbm>>) dst(%dma_wait3A_130 : memref<128x128xf32, #tpu.memory_space<vmem>>)
    %lt3A_133 = arith.constant 8 : i32
    %lt3A_134 = arith.cmpi slt, %arg1, %lt3A_133 : i32
    %convert_element_type3A_135 = arith.extui %lt3A_134 : i1 to i32
    %cond3A_136 = arith.constant 0 : i32
    %cond3A_137 = arith.cmpi ne, %convert_element_type3A_135, %cond3A_136 : i32
    scf.if %cond3A_137 {
      %run_scoped3A = arith.constant 0 : i32
      %run_scoped3A_172 = arith.constant 2 : i32
      "tpu.region"() ({
        %run_scoped3A_173 = tpu.sem_alloc : memref<!tpu.dma_semaphore, #tpu.memory_space<semaphore_mem>>
        %dma_start3A_174 = arith.constant 0 : i32
        %dma_start3A_175 = arith.constant 0 : i32
        %dma_start3A_176 = tpu.memref_slice %arg5[%run_scoped3A, %dma_start3A_174, %dma_start3A_175] : memref<2x128x128xf32, #tpu.memory_space<vmem>> -> memref<1x128x128xf32, #tpu.memory_space<vmem>>
        %dma_start3A_177 = tpu.memref_squeeze %dma_start3A_176 : memref<1x128x128xf32, #tpu.memory_space<vmem>> -> memref<128x128xf32, #tpu.memory_space<vmem>>
        %dma_start3A_178 = arith.constant 0 : i32
        %dma_start3A_179 = tpu.memref_slice %arg6[%run_scoped3A_172, %dma_start3A_178] : memref<4x128xi32, #tpu.memory_space<vmem>> -> memref<1x128xi32, #tpu.memory_space<vmem>>
        %dma_start3A_180 = tpu.memref_squeeze %dma_start3A_179 : memref<1x128xi32, #tpu.memory_space<vmem>> -> memref<128xi32, #tpu.memory_space<vmem>>
        %dma_start3A_181 = arith.constant 0 : i32
        %dma_start3A_182 = arith.constant 0 : i32
        %dma_start3A_183 = tpu.memref_slice %arg8[%dma_start3A_181, %dma_start3A_182] : memref<112x128xf32, #tpu.memory_space<vmem_shared>> -> memref<112x128xf32, #tpu.memory_space<vmem_shared>>
        tpu.enqueue_indirect_dma source(%dma_start3A_177 : memref<128x128xf32, #tpu.memory_space<vmem>>) target(%dma_start3A_183 : memref<112x128xf32, #tpu.memory_space<vmem_shared>>) offsets(%dma_start3A_180 : memref<128xi32, #tpu.memory_space<vmem>>) semaphore(%run_scoped3A_173 : memref<!tpu.dma_semaphore, #tpu.memory_space<semaphore_mem>>) {add = true}
        %dma_wait3A_184 = arith.constant 0 : i32
        %dma_wait3A_185 = arith.constant 0 : i32
        %dma_wait3A_186 = tpu.memref_slice %arg5[%run_scoped3A, %dma_wait3A_184, %dma_wait3A_185] : memref<2x128x128xf32, #tpu.memory_space<vmem>> -> memref<1x128x128xf32, #tpu.memory_space<vmem>>
        %dma_wait3A_187 = tpu.memref_squeeze %dma_wait3A_186 : memref<1x128x128xf32, #tpu.memory_space<vmem>> -> memref<128x128xf32, #tpu.memory_space<vmem>>
        %dma_wait3A_188 = arith.constant 0 : i32
        %dma_wait3A_189 = tpu.memref_slice %arg6[%run_scoped3A_172, %dma_wait3A_188] : memref<4x128xi32, #tpu.memory_space<vmem>> -> memref<1x128xi32, #tpu.memory_space<vmem>>
        %dma_wait3A_190 = tpu.memref_squeeze %dma_wait3A_189 : memref<1x128xi32, #tpu.memory_space<vmem>> -> memref<128xi32, #tpu.memory_space<vmem>>
        %dma_wait3A_191 = arith.constant 0 : i32
        %dma_wait3A_192 = arith.constant 0 : i32
        %dma_wait3A_193 = tpu.memref_slice %arg8[%dma_wait3A_191, %dma_wait3A_192] : memref<112x128xf32, #tpu.memory_space<vmem_shared>> -> memref<112x128xf32, #tpu.memory_space<vmem_shared>>
        tpu.wait_indirect_dma semaphore(%run_scoped3A_173 : memref<!tpu.dma_semaphore, #tpu.memory_space<semaphore_mem>>) src(%dma_wait3A_187 : memref<128x128xf32, #tpu.memory_space<vmem>>) dst(%dma_wait3A_193 : memref<112x128xf32, #tpu.memory_space<vmem_shared>>)
        tpu.yield
      }) : () -> ()
    } else {
    }
    %ge3A_138 = arith.constant 8 : i32
    %ge3A_139 = arith.cmpi sge, %arg1, %ge3A_138 : i32
    %convert_element_type3A_140 = arith.extui %ge3A_139 : i1 to i32
    %cond3A_141 = arith.constant 0 : i32
    %cond3A_142 = arith.cmpi ne, %convert_element_type3A_140, %cond3A_141 : i32
    scf.if %cond3A_142 {
      %run_scoped3A = arith.constant 0 : i32
      %run_scoped3A_172 = arith.constant 2 : i32
      "tpu.region"() ({
        %run_scoped3A_173 = tpu.sem_alloc : memref<!tpu.dma_semaphore, #tpu.memory_space<semaphore_mem>>
        %dma_start3A_174 = arith.constant 0 : i32
        %dma_start3A_175 = arith.constant 0 : i32
        %dma_start3A_176 = tpu.memref_slice %arg5[%run_scoped3A, %dma_start3A_174, %dma_start3A_175] : memref<2x128x128xf32, #tpu.memory_space<vmem>> -> memref<1x128x128xf32, #tpu.memory_space<vmem>>
        %dma_start3A_177 = tpu.memref_squeeze %dma_start3A_176 : memref<1x128x128xf32, #tpu.memory_space<vmem>> -> memref<128x128xf32, #tpu.memory_space<vmem>>
        %dma_start3A_178 = arith.constant 0 : i32
        %dma_start3A_179 = tpu.memref_slice %arg6[%run_scoped3A_172, %dma_start3A_178] : memref<4x128xi32, #tpu.memory_space<vmem>> -> memref<1x128xi32, #tpu.memory_space<vmem>>
        %dma_start3A_180 = tpu.memref_squeeze %dma_start3A_179 : memref<1x128xi32, #tpu.memory_space<vmem>> -> memref<128xi32, #tpu.memory_space<vmem>>
        %dma_start3A_181 = arith.constant 0 : i32
        %dma_start3A_182 = arith.constant 0 : i32
        %dma_start3A_183 = tpu.memref_slice %arg9[%dma_start3A_181, %dma_start3A_182] : memref<112x128xf32, #tpu.memory_space<vmem_shared>> -> memref<112x128xf32, #tpu.memory_space<vmem_shared>>
        tpu.enqueue_indirect_dma source(%dma_start3A_177 : memref<128x128xf32, #tpu.memory_space<vmem>>) target(%dma_start3A_183 : memref<112x128xf32, #tpu.memory_space<vmem_shared>>) offsets(%dma_start3A_180 : memref<128xi32, #tpu.memory_space<vmem>>) semaphore(%run_scoped3A_173 : memref<!tpu.dma_semaphore, #tpu.memory_space<semaphore_mem>>) {add = true}
        %dma_wait3A_184 = arith.constant 0 : i32
        %dma_wait3A_185 = arith.constant 0 : i32
        %dma_wait3A_186 = tpu.memref_slice %arg5[%run_scoped3A, %dma_wait3A_184, %dma_wait3A_185] : memref<2x128x128xf32, #tpu.memory_space<vmem>> -> memref<1x128x128xf32, #tpu.memory_space<vmem>>
        %dma_wait3A_187 = tpu.memref_squeeze %dma_wait3A_186 : memref<1x128x128xf32, #tpu.memory_space<vmem>> -> memref<128x128xf32, #tpu.memory_space<vmem>>
        %dma_wait3A_188 = arith.constant 0 : i32
        %dma_wait3A_189 = tpu.memref_slice %arg6[%run_scoped3A_172, %dma_wait3A_188] : memref<4x128xi32, #tpu.memory_space<vmem>> -> memref<1x128xi32, #tpu.memory_space<vmem>>
        %dma_wait3A_190 = tpu.memref_squeeze %dma_wait3A_189 : memref<1x128xi32, #tpu.memory_space<vmem>> -> memref<128xi32, #tpu.memory_space<vmem>>
        %dma_wait3A_191 = arith.constant 0 : i32
        %dma_wait3A_192 = arith.constant 0 : i32
        %dma_wait3A_193 = tpu.memref_slice %arg9[%dma_wait3A_191, %dma_wait3A_192] : memref<112x128xf32, #tpu.memory_space<vmem_shared>> -> memref<112x128xf32, #tpu.memory_space<vmem_shared>>
        tpu.wait_indirect_dma semaphore(%run_scoped3A_173 : memref<!tpu.dma_semaphore, #tpu.memory_space<semaphore_mem>>) src(%dma_wait3A_187 : memref<128x128xf32, #tpu.memory_space<vmem>>) dst(%dma_wait3A_193 : memref<112x128xf32, #tpu.memory_space<vmem_shared>>)
        tpu.yield
      }) : () -> ()
    } else {
    }
    %dma_wait3A_143 = arith.constant 1 : i32
    %dma_wait3A_144 = arith.constant 0 : i32
    %dma_wait3A_145 = arith.constant 0 : i32
    %dma_wait3A_146 = tpu.memref_slice %arg5[%dma_wait3A_143, %dma_wait3A_144, %dma_wait3A_145] : memref<2x128x128xf32, #tpu.memory_space<vmem>> -> memref<1x128x128xf32, #tpu.memory_space<vmem>>
    %dma_wait3A_147 = tpu.memref_squeeze %dma_wait3A_146 : memref<1x128x128xf32, #tpu.memory_space<vmem>> -> memref<128x128xf32, #tpu.memory_space<vmem>>
    %dma_wait3A_148 = arith.constant 0 : i32
    %dma_wait3A_149 = tpu.memref_slice %arg2[%add3A_106, %dma_wait3A_148] : memref<16384x128xf32, #tpu.memory_space<hbm>> -> memref<128x128xf32, #tpu.memory_space<hbm>>
    %dma_wait3A_150 = arith.constant 0 : i32
    %dma_wait3A_151 = arith.constant 0 : i32
    %dma_wait3A_152 = tpu.memref_slice %arg5[%dma_wait3A_143, %dma_wait3A_150, %dma_wait3A_151] : memref<2x128x128xf32, #tpu.memory_space<vmem>> -> memref<1x128x128xf32, #tpu.memory_space<vmem>>
    %dma_wait3A_153 = tpu.memref_squeeze %dma_wait3A_152 : memref<1x128x128xf32, #tpu.memory_space<vmem>> -> memref<128x128xf32, #tpu.memory_space<vmem>>
    %dma_wait3A_154 = arith.constant 0 : i32
    %dma_wait3A_155 = tpu.memref_slice %arg2[%add3A_106, %dma_wait3A_154] : memref<16384x128xf32, #tpu.memory_space<hbm>> -> memref<128x128xf32, #tpu.memory_space<hbm>>
    tpu.wait_dma2 semaphore(%arg11 : memref<!tpu.dma_semaphore, #tpu.memory_space<semaphore_mem>>) src(%dma_wait3A_155 : memref<128x128xf32, #tpu.memory_space<hbm>>) dst(%dma_wait3A_153 : memref<128x128xf32, #tpu.memory_space<vmem>>)
    %lt3A_156 = arith.constant 8 : i32
    %lt3A_157 = arith.cmpi slt, %arg1, %lt3A_156 : i32
    %convert_element_type3A_158 = arith.extui %lt3A_157 : i1 to i32
    %cond3A_159 = arith.constant 0 : i32
    %cond3A_160 = arith.cmpi ne, %convert_element_type3A_158, %cond3A_159 : i32
    scf.if %cond3A_160 {
      %run_scoped3A = arith.constant 1 : i32
      %run_scoped3A_172 = arith.constant 3 : i32
      "tpu.region"() ({
        %run_scoped3A_173 = tpu.sem_alloc : memref<!tpu.dma_semaphore, #tpu.memory_space<semaphore_mem>>
        %dma_start3A_174 = arith.constant 0 : i32
        %dma_start3A_175 = arith.constant 0 : i32
        %dma_start3A_176 = tpu.memref_slice %arg5[%run_scoped3A, %dma_start3A_174, %dma_start3A_175] : memref<2x128x128xf32, #tpu.memory_space<vmem>> -> memref<1x128x128xf32, #tpu.memory_space<vmem>>
        %dma_start3A_177 = tpu.memref_squeeze %dma_start3A_176 : memref<1x128x128xf32, #tpu.memory_space<vmem>> -> memref<128x128xf32, #tpu.memory_space<vmem>>
        %dma_start3A_178 = arith.constant 0 : i32
        %dma_start3A_179 = tpu.memref_slice %arg6[%run_scoped3A_172, %dma_start3A_178] : memref<4x128xi32, #tpu.memory_space<vmem>> -> memref<1x128xi32, #tpu.memory_space<vmem>>
        %dma_start3A_180 = tpu.memref_squeeze %dma_start3A_179 : memref<1x128xi32, #tpu.memory_space<vmem>> -> memref<128xi32, #tpu.memory_space<vmem>>
        %dma_start3A_181 = arith.constant 0 : i32
        %dma_start3A_182 = arith.constant 0 : i32
        %dma_start3A_183 = tpu.memref_slice %arg8[%dma_start3A_181, %dma_start3A_182] : memref<112x128xf32, #tpu.memory_space<vmem_shared>> -> memref<112x128xf32, #tpu.memory_space<vmem_shared>>
        tpu.enqueue_indirect_dma source(%dma_start3A_177 : memref<128x128xf32, #tpu.memory_space<vmem>>) target(%dma_start3A_183 : memref<112x128xf32, #tpu.memory_space<vmem_shared>>) offsets(%dma_start3A_180 : memref<128xi32, #tpu.memory_space<vmem>>) semaphore(%run_scoped3A_173 : memref<!tpu.dma_semaphore, #tpu.memory_space<semaphore_mem>>) {add = true}
        %dma_wait3A_184 = arith.constant 0 : i32
        %dma_wait3A_185 = arith.constant 0 : i32
        %dma_wait3A_186 = tpu.memref_slice %arg5[%run_scoped3A, %dma_wait3A_184, %dma_wait3A_185] : memref<2x128x128xf32, #tpu.memory_space<vmem>> -> memref<1x128x128xf32, #tpu.memory_space<vmem>>
        %dma_wait3A_187 = tpu.memref_squeeze %dma_wait3A_186 : memref<1x128x128xf32, #tpu.memory_space<vmem>> -> memref<128x128xf32, #tpu.memory_space<vmem>>
        %dma_wait3A_188 = arith.constant 0 : i32
        %dma_wait3A_189 = tpu.memref_slice %arg6[%run_scoped3A_172, %dma_wait3A_188] : memref<4x128xi32, #tpu.memory_space<vmem>> -> memref<1x128xi32, #tpu.memory_space<vmem>>
        %dma_wait3A_190 = tpu.memref_squeeze %dma_wait3A_189 : memref<1x128xi32, #tpu.memory_space<vmem>> -> memref<128xi32, #tpu.memory_space<vmem>>
        %dma_wait3A_191 = arith.constant 0 : i32
        %dma_wait3A_192 = arith.constant 0 : i32
        %dma_wait3A_193 = tpu.memref_slice %arg8[%dma_wait3A_191, %dma_wait3A_192] : memref<112x128xf32, #tpu.memory_space<vmem_shared>> -> memref<112x128xf32, #tpu.memory_space<vmem_shared>>
        tpu.wait_indirect_dma semaphore(%run_scoped3A_173 : memref<!tpu.dma_semaphore, #tpu.memory_space<semaphore_mem>>) src(%dma_wait3A_187 : memref<128x128xf32, #tpu.memory_space<vmem>>) dst(%dma_wait3A_193 : memref<112x128xf32, #tpu.memory_space<vmem_shared>>)
        tpu.yield
      }) : () -> ()
    } else {
    }
    %ge3A_161 = arith.constant 8 : i32
    %ge3A_162 = arith.cmpi sge, %arg1, %ge3A_161 : i32
    %convert_element_type3A_163 = arith.extui %ge3A_162 : i1 to i32
    %cond3A_164 = arith.constant 0 : i32
    %cond3A_165 = arith.cmpi ne, %convert_element_type3A_163, %cond3A_164 : i32
    scf.if %cond3A_165 {
      %run_scoped3A = arith.constant 1 : i32
      %run_scoped3A_172 = arith.constant 3 : i32
      "tpu.region"() ({
        %run_scoped3A_173 = tpu.sem_alloc : memref<!tpu.dma_semaphore, #tpu.memory_space<semaphore_mem>>
        %dma_start3A_174 = arith.constant 0 : i32
        %dma_start3A_175 = arith.constant 0 : i32
        %dma_start3A_176 = tpu.memref_slice %arg5[%run_scoped3A, %dma_start3A_174, %dma_start3A_175] : memref<2x128x128xf32, #tpu.memory_space<vmem>> -> memref<1x128x128xf32, #tpu.memory_space<vmem>>
        %dma_start3A_177 = tpu.memref_squeeze %dma_start3A_176 : memref<1x128x128xf32, #tpu.memory_space<vmem>> -> memref<128x128xf32, #tpu.memory_space<vmem>>
        %dma_start3A_178 = arith.constant 0 : i32
        %dma_start3A_179 = tpu.memref_slice %arg6[%run_scoped3A_172, %dma_start3A_178] : memref<4x128xi32, #tpu.memory_space<vmem>> -> memref<1x128xi32, #tpu.memory_space<vmem>>
        %dma_start3A_180 = tpu.memref_squeeze %dma_start3A_179 : memref<1x128xi32, #tpu.memory_space<vmem>> -> memref<128xi32, #tpu.memory_space<vmem>>
        %dma_start3A_181 = arith.constant 0 : i32
        %dma_start3A_182 = arith.constant 0 : i32
        %dma_start3A_183 = tpu.memref_slice %arg9[%dma_start3A_181, %dma_start3A_182] : memref<112x128xf32, #tpu.memory_space<vmem_shared>> -> memref<112x128xf32, #tpu.memory_space<vmem_shared>>
        tpu.enqueue_indirect_dma source(%dma_start3A_177 : memref<128x128xf32, #tpu.memory_space<vmem>>) target(%dma_start3A_183 : memref<112x128xf32, #tpu.memory_space<vmem_shared>>) offsets(%dma_start3A_180 : memref<128xi32, #tpu.memory_space<vmem>>) semaphore(%run_scoped3A_173 : memref<!tpu.dma_semaphore, #tpu.memory_space<semaphore_mem>>) {add = true}
        %dma_wait3A_184 = arith.constant 0 : i32
        %dma_wait3A_185 = arith.constant 0 : i32
        %dma_wait3A_186 = tpu.memref_slice %arg5[%run_scoped3A, %dma_wait3A_184, %dma_wait3A_185] : memref<2x128x128xf32, #tpu.memory_space<vmem>> -> memref<1x128x128xf32, #tpu.memory_space<vmem>>
        %dma_wait3A_187 = tpu.memref_squeeze %dma_wait3A_186 : memref<1x128x128xf32, #tpu.memory_space<vmem>> -> memref<128x128xf32, #tpu.memory_space<vmem>>
        %dma_wait3A_188 = arith.constant 0 : i32
        %dma_wait3A_189 = tpu.memref_slice %arg6[%run_scoped3A_172, %dma_wait3A_188] : memref<4x128xi32, #tpu.memory_space<vmem>> -> memref<1x128xi32, #tpu.memory_space<vmem>>
        %dma_wait3A_190 = tpu.memref_squeeze %dma_wait3A_189 : memref<1x128xi32, #tpu.memory_space<vmem>> -> memref<128xi32, #tpu.memory_space<vmem>>
        %dma_wait3A_191 = arith.constant 0 : i32
        %dma_wait3A_192 = arith.constant 0 : i32
        %dma_wait3A_193 = tpu.memref_slice %arg9[%dma_wait3A_191, %dma_wait3A_192] : memref<112x128xf32, #tpu.memory_space<vmem_shared>> -> memref<112x128xf32, #tpu.memory_space<vmem_shared>>
        tpu.wait_indirect_dma semaphore(%run_scoped3A_173 : memref<!tpu.dma_semaphore, #tpu.memory_space<semaphore_mem>>) src(%dma_wait3A_187 : memref<128x128xf32, #tpu.memory_space<vmem>>) dst(%dma_wait3A_193 : memref<112x128xf32, #tpu.memory_space<vmem_shared>>)
        tpu.yield
      }) : () -> ()
    } else {
    }
    %barrier3A_166 = arith.constant 0 : index
    tpu.barrier barrier_id(%barrier3A_166)
    %lt3A_167 = arith.constant 14 : i32
    %lt3A_168 = arith.cmpi slt, %arg1, %lt3A_167 : i32
    %convert_element_type3A_169 = arith.extui %lt3A_168 : i1 to i32
    %cond3A_170 = arith.constant 0 : i32
    %cond3A_171 = arith.cmpi ne, %convert_element_type3A_169, %cond3A_170 : i32
    scf.if %cond3A_171 {
      %mul3A_172 = arith.constant 8 : i32
      %mul3A_173 = arith.muli %arg1, %mul3A_172 : i32
      %mul3A_174 = arith.constant 8 : i32
      %mul3A_175 = arith.muli %arg1, %mul3A_174 : i32
      %run_scoped3A = arith.constant 0 : i32
      "tpu.region"() ({
        %run_scoped3A_181 = tpu.sem_alloc : memref<!tpu.dma_semaphore, #tpu.memory_space<semaphore_mem>>
        %dma_start3A_182 = arith.constant 0 : i32
        %dma_start3A_183 = tpu.memref_slice %arg4[%arg0, %run_scoped3A, %mul3A_175, %dma_start3A_182] : memref<2x2x112x128xf32, #tpu.memory_space<hbm>> -> memref<1x1x8x128xf32, #tpu.memory_space<hbm>>
        %dma_start3A_184 = tpu.memref_squeeze %dma_start3A_183 : memref<1x1x8x128xf32, #tpu.memory_space<hbm>> -> memref<8x128xf32, #tpu.memory_space<hbm>>
        %dma_start3A_185 = arith.constant 0 : i32
        %dma_start3A_186 = tpu.memref_slice %arg8[%mul3A_173, %dma_start3A_185] : memref<112x128xf32, #tpu.memory_space<vmem_shared>> -> memref<8x128xf32, #tpu.memory_space<vmem_shared>>
        tpu.enqueue_dma source(%dma_start3A_186 : memref<8x128xf32, #tpu.memory_space<vmem_shared>>) target(%dma_start3A_184 : memref<8x128xf32, #tpu.memory_space<hbm>>) target_semaphore(%run_scoped3A_181 : memref<!tpu.dma_semaphore, #tpu.memory_space<semaphore_mem>>)
        %dma_wait3A_187 = arith.constant 0 : i32
        %dma_wait3A_188 = tpu.memref_slice %arg4[%arg0, %run_scoped3A, %mul3A_175, %dma_wait3A_187] : memref<2x2x112x128xf32, #tpu.memory_space<hbm>> -> memref<1x1x8x128xf32, #tpu.memory_space<hbm>>
        %dma_wait3A_189 = tpu.memref_squeeze %dma_wait3A_188 : memref<1x1x8x128xf32, #tpu.memory_space<hbm>> -> memref<8x128xf32, #tpu.memory_space<hbm>>
        %dma_wait3A_190 = arith.constant 0 : i32
        %dma_wait3A_191 = tpu.memref_slice %arg8[%mul3A_173, %dma_wait3A_190] : memref<112x128xf32, #tpu.memory_space<vmem_shared>> -> memref<8x128xf32, #tpu.memory_space<vmem_shared>>
        tpu.wait_dma2 semaphore(%run_scoped3A_181 : memref<!tpu.dma_semaphore, #tpu.memory_space<semaphore_mem>>) src(%dma_wait3A_191 : memref<8x128xf32, #tpu.memory_space<vmem_shared>>) dst(%dma_wait3A_189 : memref<8x128xf32, #tpu.memory_space<hbm>>)
        tpu.yield
      }) : () -> ()
      %mul3A_176 = arith.constant 8 : i32
      %mul3A_177 = arith.muli %arg1, %mul3A_176 : i32
      %mul3A_178 = arith.constant 8 : i32
      %mul3A_179 = arith.muli %arg1, %mul3A_178 : i32
      %run_scoped3A_180 = arith.constant 1 : i32
      "tpu.region"() ({
        %run_scoped3A_181 = tpu.sem_alloc : memref<!tpu.dma_semaphore, #tpu.memory_space<semaphore_mem>>
        %dma_start3A_182 = arith.constant 0 : i32
        %dma_start3A_183 = tpu.memref_slice %arg4[%arg0, %run_scoped3A_180, %mul3A_179, %dma_start3A_182] : memref<2x2x112x128xf32, #tpu.memory_space<hbm>> -> memref<1x1x8x128xf32, #tpu.memory_space<hbm>>
        %dma_start3A_184 = tpu.memref_squeeze %dma_start3A_183 : memref<1x1x8x128xf32, #tpu.memory_space<hbm>> -> memref<8x128xf32, #tpu.memory_space<hbm>>
        %dma_start3A_185 = arith.constant 0 : i32
        %dma_start3A_186 = tpu.memref_slice %arg9[%mul3A_177, %dma_start3A_185] : memref<112x128xf32, #tpu.memory_space<vmem_shared>> -> memref<8x128xf32, #tpu.memory_space<vmem_shared>>
        tpu.enqueue_dma source(%dma_start3A_186 : memref<8x128xf32, #tpu.memory_space<vmem_shared>>) target(%dma_start3A_184 : memref<8x128xf32, #tpu.memory_space<hbm>>) target_semaphore(%run_scoped3A_181 : memref<!tpu.dma_semaphore, #tpu.memory_space<semaphore_mem>>)
        %dma_wait3A_187 = arith.constant 0 : i32
        %dma_wait3A_188 = tpu.memref_slice %arg4[%arg0, %run_scoped3A_180, %mul3A_179, %dma_wait3A_187] : memref<2x2x112x128xf32, #tpu.memory_space<hbm>> -> memref<1x1x8x128xf32, #tpu.memory_space<hbm>>
        %dma_wait3A_189 = tpu.memref_squeeze %dma_wait3A_188 : memref<1x1x8x128xf32, #tpu.memory_space<hbm>> -> memref<8x128xf32, #tpu.memory_space<hbm>>
        %dma_wait3A_190 = arith.constant 0 : i32
        %dma_wait3A_191 = tpu.memref_slice %arg9[%mul3A_177, %dma_wait3A_190] : memref<112x128xf32, #tpu.memory_space<vmem_shared>> -> memref<8x128xf32, #tpu.memory_space<vmem_shared>>
        tpu.wait_dma2 semaphore(%run_scoped3A_181 : memref<!tpu.dma_semaphore, #tpu.memory_space<semaphore_mem>>) src(%dma_wait3A_191 : memref<8x128xf32, #tpu.memory_space<vmem_shared>>) dst(%dma_wait3A_189 : memref<8x128xf32, #tpu.memory_space<hbm>>)
        tpu.yield
      }) : () -> ()
    } else {
    }
    return
  }
}

module attributes {stable_mosaic.version = 14 : i64} {
  func.func @body(%arg0: memref<2x2x112x128xf32, #tpu.memory_space<vmem>>, %arg1: memref<112x128xf32, #tpu.memory_space<vmem>>, %arg2: memref<1x1xf32, #tpu.memory_space<smem>>) attributes {dimension_semantics = [], scalar_prefetch = 0 : i64, scratch_operands = 0 : i64, tpu.core_type = #tpu.core_type<tc>} {
    %get3A = arith.constant 0 : index
    %get3A_0 = arith.constant 0 : index
    %get3A_1 = arith.constant 0 : index
    %get3A_2 = arith.constant 0 : index
    %get3A_3 = vector.load %arg0[%get3A, %get3A_0, %get3A_1, %get3A_2] : memref<2x2x112x128xf32, #tpu.memory_space<vmem>>, vector<2x2x112x128xf32>
    %slice3A = vector.extract_strided_slice %get3A_3 {offsets = [0, 0, 0, 0], sizes = [1, 1, 112, 128], strides = [1, 1, 1, 1]} : vector<2x2x112x128xf32> to vector<1x1x112x128xf32>
    %squeeze3A = vector.shape_cast %slice3A : vector<1x1x112x128xf32> to vector<112x128xf32>
    %slice3A_4 = vector.extract_strided_slice %get3A_3 {offsets = [0, 1, 0, 0], sizes = [1, 1, 112, 128], strides = [1, 1, 1, 1]} : vector<2x2x112x128xf32> to vector<1x1x112x128xf32>
    %squeeze3A_5 = vector.shape_cast %slice3A_4 : vector<1x1x112x128xf32> to vector<112x128xf32>
    %add3A = arith.addf %squeeze3A, %squeeze3A_5 : vector<112x128xf32>
    %slice3A_6 = vector.extract_strided_slice %get3A_3 {offsets = [1, 0, 0, 0], sizes = [1, 1, 112, 128], strides = [1, 1, 1, 1]} : vector<2x2x112x128xf32> to vector<1x1x112x128xf32>
    %squeeze3A_7 = vector.shape_cast %slice3A_6 : vector<1x1x112x128xf32> to vector<112x128xf32>
    %add3A_8 = arith.addf %add3A, %squeeze3A_7 : vector<112x128xf32>
    %slice3A_9 = vector.extract_strided_slice %get3A_3 {offsets = [1, 1, 0, 0], sizes = [1, 1, 112, 128], strides = [1, 1, 1, 1]} : vector<2x2x112x128xf32> to vector<1x1x112x128xf32>
    %squeeze3A_10 = vector.shape_cast %slice3A_9 : vector<1x1x112x128xf32> to vector<112x128xf32>
    %add3A_11 = arith.addf %add3A_8, %squeeze3A_10 : vector<112x128xf32>
    %get3A_12 = arith.constant 0 : index
    %get3A_13 = arith.constant 0 : index
    %get3A_14 = vector.load %arg1[%get3A_12, %get3A_13] : memref<112x128xf32, #tpu.memory_space<vmem>>, vector<112x128xf32>
    %reduce_sum3A = arith.constant dense<0.000000e+00> : vector<112xf32>
    %reduce_sum3A_15 = vector.multi_reduction <add>, %get3A_14, %reduce_sum3A [1] : vector<112x128xf32> to vector<112xf32>
    %broadcast_in_dim3A = vector.shape_cast %reduce_sum3A_15 : vector<112xf32> to vector<112x1xf32>
    %max3A = arith.constant 1.000000e+00 : f32
    %max3A_16 = vector.broadcast %max3A : f32 to vector<112x1xf32>
    %max3A_17 = arith.maximumf %broadcast_in_dim3A, %max3A_16 : vector<112x1xf32>
    %div3A = vector.broadcast %max3A_17 : vector<112x1xf32> to vector<112x128xf32>
    %div3A_18 = arith.divf %add3A_11, %div3A : vector<112x128xf32>
    %mul3A = arith.mulf %div3A_18, %div3A_18 : vector<112x128xf32>
    %reduce_sum3A_19 = arith.constant dense<0.000000e+00> : vector<112xf32>
    %reduce_sum3A_20 = vector.multi_reduction <add>, %mul3A, %reduce_sum3A_19 [1] : vector<112x128xf32> to vector<112xf32>
    %broadcast_in_dim3A_21 = vector.shape_cast %reduce_sum3A_20 : vector<112xf32> to vector<112x1xf32>
    %sqrt3A = math.sqrt %broadcast_in_dim3A_21 : vector<112x1xf32>
    %mul3A_22 = arith.mulf %add3A_11, %div3A_18 : vector<112x128xf32>
    %reduce_sum3A_23 = arith.constant dense<0.000000e+00> : vector<112xf32>
    %reduce_sum3A_24 = vector.multi_reduction <add>, %mul3A_22, %reduce_sum3A_23 [1] : vector<112x128xf32> to vector<112xf32>
    %broadcast_in_dim3A_25 = vector.shape_cast %reduce_sum3A_24 : vector<112xf32> to vector<112x1xf32>
    %max3A_26 = arith.constant 9.99999996E-13 : f32
    %max3A_27 = vector.broadcast %max3A_26 : f32 to vector<112x1xf32>
    %max3A_28 = arith.maximumf %sqrt3A, %max3A_27 : vector<112x1xf32>
    %div3A_29 = arith.divf %broadcast_in_dim3A_25, %max3A_28 : vector<112x1xf32>
    %sub3A = arith.subf %broadcast_in_dim3A, %div3A_29 : vector<112x1xf32>
    %div3A_30 = arith.divf %sub3A, %max3A_17 : vector<112x1xf32>
    %ge3A = arith.constant 2.000000e+00 : f32
    %ge3A_31 = vector.broadcast %ge3A : f32 to vector<112x1xf32>
    %ge3A_32 = arith.cmpf oge, %broadcast_in_dim3A, %ge3A_31 : vector<112x1xf32>
    %convert_element_type3A = arith.extui %ge3A_32 : vector<112x1xi1> to vector<112x1xi32>
    %convert_element_type3A_33 = arith.sitofp %convert_element_type3A : vector<112x1xi32> to vector<112x1xf32>
    %reduce_sum3A_34 = vector.shape_cast %convert_element_type3A_33 : vector<112x1xf32> to vector<1x112x1xf32>
    %reduce_sum3A_35 = arith.constant dense<0.000000e+00> : vector<1xf32>
    %reduce_sum3A_36 = vector.multi_reduction <add>, %reduce_sum3A_34, %reduce_sum3A_35 [1, 2] : vector<1x112x1xf32> to vector<1xf32>
    %reduce_sum3A_37 = vector.shape_cast %reduce_sum3A_36 : vector<1xf32> to vector<1x1x1xf32>
    %reduce_sum3A_38 = vector.extract %reduce_sum3A_37[0, 0, 0] : f32 from vector<1x1x1xf32>
    %broadcast_in_dim3A_39 = arith.constant 0.000000e+00 : f32
    %broadcast_in_dim3A_40 = vector.broadcast %broadcast_in_dim3A_39 : f32 to vector<112x1xf32>
    %select_n3A = arith.select %ge3A_32, %div3A_30, %broadcast_in_dim3A_40 : vector<112x1xi1>, vector<112x1xf32>
    %reduce_sum3A_41 = vector.shape_cast %select_n3A : vector<112x1xf32> to vector<1x112x1xf32>
    %reduce_sum3A_42 = arith.constant dense<0.000000e+00> : vector<1xf32>
    %reduce_sum3A_43 = vector.multi_reduction <add>, %reduce_sum3A_41, %reduce_sum3A_42 [1, 2] : vector<1x112x1xf32> to vector<1xf32>
    %reduce_sum3A_44 = vector.shape_cast %reduce_sum3A_43 : vector<1xf32> to vector<1x1x1xf32>
    %reduce_sum3A_45 = vector.extract %reduce_sum3A_44[0, 0, 0] : f32 from vector<1x1x1xf32>
    %gt3A = arith.constant 0.000000e+00 : f32
    %gt3A_46 = arith.cmpf ogt, %reduce_sum3A_38, %gt3A : f32
    %max3A_47 = arith.constant 1.000000e+00 : f32
    %max3A_48 = arith.maximumf %reduce_sum3A_38, %max3A_47 : f32
    %div3A_49 = arith.divf %reduce_sum3A_45, %max3A_48 : f32
    %jit3A = arith.constant 0.000000e+00 : f32
    %select_n3A_50 = arith.select %gt3A_46, %div3A_49, %jit3A : f32
    %swap3A = arith.constant 0 : index
    %swap3A_51 = arith.constant 0 : index
    %swap3A_52 = memref.load %arg2[%swap3A, %swap3A_51] : memref<1x1xf32, #tpu.memory_space<smem>>
    memref.store %select_n3A_50, %arg2[%swap3A, %swap3A_51] : memref<1x1xf32, #tpu.memory_space<smem>>
    return
  }
}

module attributes {stable_mosaic.version = 14 : i64} {
  func.func @body(%arg0: memref<128x128xi32, #tpu.memory_space<vmem>>, %arg1: memref<112x128xf32, #tpu.memory_space<vmem>>) attributes {dimension_semantics = [], scalar_prefetch = 0 : i64, scratch_operands = 0 : i64, tpu.core_type = #tpu.core_type<tc>} {
    %iota3A = tpu.iota {dimensions = array<i32: 0>} : vector<112x128xi32>
    %broadcast_in_dim3A = arith.constant 0.000000e+00 : f32
    %broadcast_in_dim3A_0 = vector.broadcast %broadcast_in_dim3A : f32 to vector<112x128xf32>
    %scan3A = arith.constant 0 : i32
    %scan3A_1 = arith.constant 128 : i32
    %scan3A_2 = arith.addi %scan3A, %scan3A_1 : i32
    %scan3A_3 = arith.constant 1 : i32
    %scan3A_4 = scf.for %scan3A_8 = %scan3A to %scan3A_2 step %scan3A_3 iter_args(%scan3A_9 = %broadcast_in_dim3A_0) -> (vector<112x128xf32>)  : i32 {
      %get3A = arith.index_cast %scan3A_8 : i32 to index
      %get3A_10 = arith.constant 0 : index
      %get3A_11 = vector.load %arg0[%get3A, %get3A_10] : memref<128x128xi32, #tpu.memory_space<vmem>>, vector<1x128xi32>
      %eq3A = vector.broadcast %get3A_11 : vector<1x128xi32> to vector<112x128xi32>
      %eq3A_12 = arith.cmpi eq, %eq3A, %iota3A : vector<112x128xi32>
      %jit3A = arith.constant 1.000000e+00 : f32
      %jit3A_13 = arith.constant 0.000000e+00 : f32
      %broadcast_in_dim3A_14 = vector.broadcast %jit3A : f32 to vector<112x128xf32>
      %broadcast_in_dim3A_15 = vector.broadcast %jit3A_13 : f32 to vector<112x128xf32>
      %select_n3A = arith.select %eq3A_12, %broadcast_in_dim3A_14, %broadcast_in_dim3A_15 : vector<112x128xi1>, vector<112x128xf32>
      %add3A = arith.addf %scan3A_9, %select_n3A : vector<112x128xf32>
      scf.yield %add3A : vector<112x128xf32>
    }
    %scan3A_5 = arith.constant 128 : i32
    %swap3A = arith.constant 0 : index
    %swap3A_6 = arith.constant 0 : index
    %swap3A_7 = vector.load %arg1[%swap3A, %swap3A_6] : memref<112x128xf32, #tpu.memory_space<vmem>>, vector<112x128xf32>
    tpu.vector_store %arg1[%swap3A, %swap3A_6], %scan3A_4 {strides = array<i32>} : memref<112x128xf32, #tpu.memory_space<vmem>>, vector<112x128xf32>,
    return
  }
}

</mosaic_0001>

<sc_bundles>
// kernel: kernel.5.cloned.1.call-start
scs
__scs_entry_jumppad:
0x0: {  	(pc) =	sbr.rel $0x88, $3  }
0x1: {  	(tag) =	ssettag $0x0;
	lr =	simm.s32 $0x1  }
0x2: {  	[smem:$0x3F9F] =	sst lr;
	_ =	strace $0xD0000000  }
0x3: {  	_ = 	snop  }
0x4: {  	_ = 	snop  }
0x5: {  	_ = 	snop  }
0x6: {  	_ = 	snop  }
0x7: {  	_ = 	snop  }
__scs_overlays_trampoline_lowered:
0x8: {  	[smem:$0x3FAE] =	sst s0  }
0x9: {  	[smem:$0x3FAF] =	sst s1  }
0xa: {  	[smem:$0x3FB0] =	sst s2  }
0xb: {  	[smem:$0x3FB1] =	sst s3  }
0xc: {  	[smem:$0x3FB2] =	sst s4  }
0xd: {  	[smem:$0x3FB3] =	sst s5  }
0xe: {  	[smem:$0x3FB4] =	sst s6  }
0xf: {  	[smem:$0x3FB5] =	sst s7  }
0x10: {  	[smem:$0x3FB6] =	sst s8  }
0x11: {  	[smem:$0x3FB7] =	sst s9;
	s0 =	simm.s32 @!p0 $0x0  }
0x12: {  	s1 =	sld [smem:$0x3F9D];
	s0 =	simm.s32 @p0 $0x1  }
0x13: {  	[smem:$0x3FB8] =	sst s0;
	s0 =	simm.s32 @!p1 $0x0  }
0x14: {  	s2 =	sld [smem:$0x3F9C];
	s0 =	simm.s32 @p1 $0x1  }
0x15: {  	[smem:$0x3FB9] =	sst s0;
	s0 =	simm.s32 @!p2 $0x0  }
0x16: {  	s3 =	sld [smem:$0x3FDB];
	s0 =	simm.s32 @p2 $0x1  }
0x17: {  	s4 =	simm.s32 $0x1BF5;
	[smem:$0x3FBB] =	sst s0  }
0x18: {  	s0 =	sld [smem:$0x3F9E];
	_ =	swait.ge [sflag:s4], $0x0  }
0x19: {  	s7 =	sld [smem:$0x3F9F]  }
0x1a: {  	s8 =	sadd.s32 $0xFFFFE003, lr  }
0x1b: {  	s9 =	sadd.s32 $0xFFFFFEF7, lr;
	s5 =	simm.s32 $0xFFFFFFFF;
	p2 =	slt.u32 s8, $0xFFFFF086  }
0x1c: {  	p1 =	slt.u32 s9, $0xF7A;
	s5 =	simm.s32 @!p2 $0x0  }
0x1d: {  	s5 =	simm.s32 @p1 $0x1;
	p0 =	seq.s32 s7, s2  }
0x1e: {  	s7 =	smul.u32 @!p0 $0xF7A, s2;
	p2 =	seq.s32 @!p0 s5, $0x0  }
0x1f: {  	s9 =	smul.u32 $0xF7A, s1;
	s8 =	simm.s32 @!p0 $0x1BF5;
	p2 =	por !p2, p0  }
0x20: {  	[sflag:s8] =	ssyncset.s32 @!p0 $0xFFFFF086;
	s6 =	sadd.s32 @!p0 s3, s7;
	s7 =	simm.s32 @!p0 $0x108  }
0x21: {  	s3 =	sadd.s32 s3, s9;
	s6 =	sadd.s32 @!p0 $0x88, s6;
	s7 =	simm.s32 @p2 $0x1082  }
0x22: {  	[simem:s7], [sflag:s8] =	dma.local @!p0 [hbm:s6], $0xF7A  }
0x23: {  	s9 =	sor.u32 $0xD0000000, s2;
	s6 =	simm.s32 $0x108;
	_ =	swait.ge @!p0 [sflag:s8], $0x0  }
0x24: {  	s3 =	sadd.s32 $0x88, s3;
	s6 =	simm.s32 @!p1 $0x1082;
	[sflag:s4] =	ssyncset.s32 $0xFFFFF086  }
0x25: {  	[simem:s6], [sflag:s4] =	dma.local [hbm:s3], $0xF7A  }
0x26: {  	[smem:$0x3F9F] =	sst s1;
	(tag) =	ssettag s2;
	_ =	strace s9  }
0x27: {  	s1 =	sld [smem:$0x3FAF]  }
0x28: {  	s2 =	sld [smem:$0x3FB0]  }
0x29: {  	s4 =	sld [smem:$0x3FB2]  }
0x2a: {  	p0 =	seq.s32 s5, $0x0;
	s5 =	sld [smem:$0x3FB3]  }
0x2b: {  	s6 =	sld [smem:$0x3FB4]  }
0x2c: {  	s7 =	sld [smem:$0x3FB5]  }
0x2d: {  	s3 =	simm.s32 $0x108;
	s8 =	sld [smem:$0x3FB6]  }
0x2e: {  	s3 =	simm.s32 @!p0 $0x1082;
	s9 =	sld [smem:$0x3FB7]  }
0x2f: {  	lr =	sadd.s32 s0, s3;
	s0 =	sld [smem:$0x3FAE]  }
0x30: {  	s3 =	sld [smem:$0x3FB1]  }
0x31: {  	[smem:$0x3FBA] =	sst s10  }
0x32: {  	s10 =	sld [smem:$0x3FB8];
	_ =	sdelay $0x3  }
0x33: {  	p0 =	seq.s32 s10, $0x1;
	s10 =	sld [smem:$0x3FBA];
	_ =	sdelay $0x3  }
0x34: {  	[smem:$0x3FBA] =	sst s10  }
0x35: {  	s10 =	sld [smem:$0x3FB9];
	_ =	sdelay $0x3  }
0x36: {  	p1 =	seq.s32 s10, $0x1;
	s10 =	sld [smem:$0x3FBA];
	_ =	sdelay $0x3  }
0x37: {  	[smem:$0x3FBA] =	sst s10  }
0x38: {  	s10 =	sld [smem:$0x3FBB]  }
0x39: {  	_ = 	snop;
	(pc) =	sbr.ind lr, $3  }
0x3a: {  	_ = 	snop  }
0x3b: {  	_ = 	snop  }
0x3c: {  	p2 =	seq.s32 s10, $0x1;
	s10 =	sld [smem:$0x3FBA]  }
0x3d: {  	_ =	shalt  }
0x3e: {  	_ =	shalt  }
0x3f: {  	_ =	shalt  }
0x40: {  	_ =	shalt  }
0x41: {  	_ =	shalt  }
0x42: {  	_ =	shalt  }
0x43: {  	_ =	shalt  }
0x44: {  	_ =	shalt  }
0x45: {  	_ =	shalt  }
0x46: {  	_ =	shalt  }
0x47: {  	_ =	shalt  }
0x48: {  	_ =	shalt  }
0x49: {  	_ =	shalt  }
0x4a: {  	_ =	shalt  }
0x4b: {  	_ =	shalt  }
0x4c: {  	_ =	shalt  }
0x4d: {  	_ =	shalt  }
0x4e: {  	_ =	shalt  }
0x4f: {  	_ =	shalt  }
0x50: {  	_ =	shalt  }
0x51: {  	_ =	shalt  }
0x52: {  	_ =	shalt  }
0x53: {  	_ =	shalt  }
0x54: {  	_ =	shalt  }
0x55: {  	_ =	shalt  }
0x56: {  	_ =	shalt  }
0x57: {  	_ =	shalt  }
0x58: {  	_ =	shalt  }
0x59: {  	_ =	shalt  }
0x5a: {  	_ =	shalt  }
0x5b: {  	_ =	shalt  }
0x5c: {  	_ =	shalt  }
0x5d: {  	_ =	shalt  }
0x5e: {  	_ =	shalt  }
0x5f: {  	_ =	shalt  }
0x60: {  	_ =	shalt  }
0x61: {  	_ =	shalt  }
0x62: {  	_ =	shalt  }
0x63: {  	_ =	shalt  }
0x64: {  	_ =	shalt  }
0x65: {  	_ =	shalt  }
0x66: {  	_ =	shalt  }
0x67: {  	_ =	shalt  }
0x68: {  	_ =	shalt  }
0x69: {  	_ =	shalt  }
0x6a: {  	_ =	shalt  }
0x6b: {  	_ =	shalt  }
0x6c: {  	_ =	shalt  }
0x6d: {  	_ =	shalt  }
0x6e: {  	_ =	shalt  }
0x6f: {  	_ =	shalt  }
0x70: {  	_ =	shalt  }
0x71: {  	_ =	shalt  }
0x72: {  	_ =	shalt  }
0x73: {  	_ =	shalt  }
0x74: {  	_ =	shalt  }
0x75: {  	_ =	shalt  }
0x76: {  	_ =	shalt  }
0x77: {  	_ =	shalt  }
0x78: {  	_ =	shalt  }
0x79: {  	_ =	shalt  }
0x7a: {  	_ =	shalt  }
0x7b: {  	_ =	shalt  }
0x7c: {  	_ =	shalt  }
0x7d: {  	_ =	shalt  }
0x7e: {  	_ =	shalt  }
0x7f: {  	_ =	shalt  }
0x80: {  	_ =	shalt  }
0x81: {  	_ =	shalt  }
0x82: {  	_ =	shalt  }
0x83: {  	_ =	shalt  }
0x84: {  	_ =	shalt  }
0x85: {  	_ =	shalt  }
0x86: {  	_ =	shalt  }
0x87: {  	_ =	shalt  }
.Lfunc_end0:
.L_simem_size_0:
called_computation_lowered:
.L_overlay_start_0:
0x88: {  	s2 =	sld [smem:$0x3FD9]  }
0x89: {  	s3 =	sld [smem:$0x3FFE];
	_ =	sdelay $0x1  }
0x8a: {  	s1 =	srdreg.scid  }
0x8b: {  	s0 =	sand.u32 $0x1, s1  }
0x8c: {  	s17 =	sshll.u32 s0, $0xA;
	s2 =	sadd.s32 s3, s2  }
0x8d: {  	s2 =	sadd.s32 s2, s17  }
0x8e: {  	[smem:$0x3FC6] =	sst s2  }
0x8f: {  	_ = 	snop  }
0x90: {  	s2 =	sld [smem:$0x3FC9]  }
0x91: {  	s18 =	sld [smem:$0x3FC8];
	(tm) =	ssettm $0x1  }
0x92: {  	s4 =	sld [smem:$0x3FFB];
	_ =	sdelay $0x3  }
0x93: {  	_ =	strace s4  }
0x94: {  	s4 =	sld [smem:$0x3FFC];
	_ =	sdelay $0x3  }
0x95: {  	_ =	strace s4  }
0x96: {  	s4 =	sld [smem:$0x3FFD];
	_ =	sdelay $0x3  }
0x97: {  	_ =	strace s4  }
0x98: {  	_ =	strace $0x8FFFFFFF  }
0x99: {  	s19 =	sld [smem:$0x3FDB];
	_ =	sdelay $0x1  }
0x9a: {  	s5 =	simm.s32 $_scs_section_size  }
0x9b: {  	s6 =	simm.s32 $_size__tile_overlayer_lowered;
	s7 =	simm.s32 $_tile_overlayer_lowered  }
0x9c: {  	s22 =	simm.s32 $0x1BFF;
	s21 =	sshll.u32 s7, $0x1;
	s4 =	sadd.s32 s5, s19  }
0x9d: {  	s8 =	simm.s32 $0x0;
	s20 =	sshll.u32 s6, $0x1;
	s6 =	sadd.s32 s21, s4  }
0x9e: {  	[timem:s8], [sflag:s22] =	dma.local [hbm:s6], s20  }
0x9f: {  	_ =	swait.ge [sflag:s22], s20  }
0xa0: {  	s5 =	ssub.s32 $0x0, s20;
	[sflag:s22] =	ssyncset.done $0x0  }
0xa1: {  	[sflag:s22] =	ssyncadd.s32 s5;
	_ =	sdelay $0x1  }
0xa2: {  	s23 =	simm.s32 $0x1B8B  }
0xa3: {  	_ =	swait.ge [sflag:s23], $0x1  }
0xa4: {  	[sflag:s23] =	ssyncset.done $0x0  }
0xa5: {  	s25 =	simm.s32 $0x1B8E;
	s24 =	sld [smem:$0x3FFE];
	[sflag:s23] =	ssyncadd.s32 $0xFFFFFFFF  }
0xa6: {  	s26 =	simm.s32 $execute0_lowered;
	[smem:$0x3FD2] =	sst s25  }
0xa7: {  	s6 =	sshll.u32 s26, $0x1;
	_ =	strace $0x80000046;
	[dreg:$0x1] =	wrdreg $0xFFFFFFFF  }
0xa8: {  	s28 =	simm.s32 $_size_execute0_lowered;
	s4 =	sadd.s32 s4, s6;
	[dreg:$0x0] =	wrdreg $0x0  }
0xa9: {  	s6 =	sshll.u32 s28, $0x1;
	[dreg:$0x2] =	wrdreg s4  }
0xaa: {  	[dreg:$0x3] =	wrdreg s6  }
0xab: {  	[dreg:$0x4] =	wrdreg $0xC0  }
0xac: {  	_ =	task [dreg:s8], $0x5FFFF  }
0xad: {  	[dreg:$0x1] =	wrdreg $0xFFFFFFFF  }
0xae: {  	[dreg:$0x0] =	wrdreg $0x60  }
0xaf: {  	[dreg:$0x2] =	wrdreg s2  }
0xb0: {  	[dreg:$0x3] =	wrdreg s18  }
0xb1: {  	[dreg:$0x4] =	wrdreg s24  }
0xb2: {  	[dreg:$0x5] =	wrdreg $0x86000  }
0xb3: {  	[dreg:$0x6] =	wrdreg $0x89800  }
0xb4: {  	[dreg:$0x7] =	wrdreg $0x9  }
0xb5: {  	_ =	task.clear_ibuf [dreg:s8], $0x8FFFF;
	_ =	strace $0x90000046  }
0xb6: {  	s29 =	simm.s32 $0x9;
	_ =	strace $0x80000048  }
0xb7: {  	_ =	swait.ge [sflag:s29], $0x1  }
0xb8: {  	[sflag:s29] =	ssyncadd.s32 $0xFFFFFFFF  }
0xb9: {  	_ =	strace $0x90000048  }
0xba: {  	_ =	sfence  }
0xbb: {  	s30 =	sld [smem:$0x0];
	_ =	sdelay $0x2  }
0xbc: {  	s31 =	sshll.u32 s1, $0xD;
	s1 =	sshrl.u32 s1, $0x2  }
0xbd: {  	s3 =	sand.u32 $0x4000, s31;
	s1 =	sadd.s32 s1, s30  }
0xbe: {  	s0 =	sor.u32 s3, s0;
	s1 =	sshll.u32 s1, $0x11  }
0xbf: {  	s0 =	sor.u32 s1, s0  }
0xc0: {  	s0 =	sadd.s32 $0x8F2B, s0  }
0xc1: {  	[sflag:s0] =	ssyncadd.remote.s32 $0x1  }
0xc2: {  	_ =	sfence.sel $0xFFFF  }
0xc3: {  	[dreg:$0x0] =	wrdreg $0xFFFFFFFF;
	(pc) =	sbr.abs _section_cstart, $3  }
0xc4: {  	[dreg:$0x1] =	wrdreg $0xFFFFFFFF  }
0xc5: {  	_ =	task.clear_ibuf [dreg:s8], $0x2FFFF;
	_ =	strace $0x9FFFFFFF  }
0xc6: {  	(tm) =	ssettm $0x7FFFFFFF  }
0xc7: {  	_ =	shalt  }
tec
execute0_lowered:
.L_overlay_start_1:
0x0: {  	(tag) =	ssettag $0x1  }
0x1: {  	s0 =	rddreg [dreg:$0x0]  }
0x2: {  	s3 =	rddreg [dreg:$0x1]  }
0x3: {  	s5 =	rddreg [dreg:$0x2]  }
0x4: {  	s1 =	rddreg [dreg:$0x3]  }
0x5: {  	s2 =	rddreg [dreg:$0x4];
	s4 =	srdreg.scid  }
0x6: {  	s24 =	stileid.u32;
	s17 =	simm.s32 $0x4000;
	s18 =	simm.s32 $0x8000  }
0x7: {  	s19 =	simm.s32 $0x3;
	s20 =	simm.s32 $0x8200;
	s28 =	simm.s32 $0x8100  }
0x8: {  	s29 =	simm.s32 $0x8180;
	s30 =	simm.s32 $0x0;
	s6 =	sand.u32 $0x1, s4  }
0x9: {  	s4 =	simm.s32 $0x0;
	s15 =	sshll.u32 s24, $0xA;
	s10 =	smul.u32 $0x380, s24  }
0xa: {  	p0 =	sgt.u32 s24, $0x7;
	p1 =	sgt.u32 s24, $0xD;
	s7 =	smul.u32 $0x7000, s6  }
0xb: {  	[smem:$0x7FF] =	sst s4;
	s8 =	ssub.s32 $0x2, s6;
	s6 =	sshll.u32 s6, $0x4  }
0xc: {  	s26 =	sadd.s32 s15, s1;
	s31 =	sadd.s32 s15, s2;
	_ =	strace $0x80000047  }
0xd: {  	s21 =	sshrl.u32 s8, $0x1;
	s6 =	sor.u32 s24, s6;
	s7 =	sadd.s32 s15, s7  }
0xe: {  	s16 =	ssub.s32 s8, s21;
	s22 =	sshll.u32 s6, $0xD;
	s23 =	sshll.u32 s6, $0x6  }
0xf: {  	s21 =	simm.s32 $0x1;
	s7 =	sshrl.u32 s7, $0x3;
	s6 =	sadd.s32 s0, s22  }
0x10: {  	s25 =	sand.u32 $0x780, s23;
	s15 =	smax.u32 s16, $0x1;
	s16 =	smov.u32 s1  }
0x11: {  	s22 =	simm.s32 $0x80;
	s23 =	simm.s32 $0x2;
	s14 =	sadd.s32 s7, s5  }
.Ltmp0:
0x12: {  	s5 =	sshll.u32 s24, $0x6;
	s7 =	sadd.s32 $0x800, s6;
	(pc) =	sbr.rel .LBB2_1-.Ltmp0, $4  }
0x13: {  	s11 =	sadd.s32 $0x1000, s6;
	s12 =	sadd.s32 $0x1800, s6;
	s16 =	smov.u32 @p0 s2  }
0x14: {  	s24 =	sshrl.u32 s26, $0x3;
	s9 =	sand.u32 $0x40, s5;
	s13 =	sadd.s32 $0x800, s14  }
0x15: {  	s14 =	sadd.s32 $0xF00, s14;
	s3 =	sadd.s32 s3, s9;
	s9 =	sadd.s32 s10, s1  }
0x16: {  	v0 =	vimm.f32 $0.0e+00;
	s10 =	sadd.s32 s10, s2;
	s8 =	sadd.s32 s25, s3;
	s25 =	sshrl.u32 s31, $0x3  }
.LBB2_4:
0x17: {  	[spmem:s1] =	stream.indirect.scatter.add.f32 [tilespmem:s17], [sflag:$0x3], $0x80, s0, s22, $0xb8;
	[tilespmem:$0x8D00] =	vst v63  }
0x18: {  	_ =	swait.ge [sflag:s19], $0x4000  }
0x19: {  	[sflag:s19] =	ssyncset.done $0x0  }
0x1a: {  	[sflag:s19] =	ssyncadd.s32 $0xFFFFC000  }
0x1b: {  	[tilespmem:s17], [sflag:$0x2] =	stream.linear.gather [hbm4b:s12+s4], $0x4000, $0x38;
	[tilespmem:$0x8D00] =	vst v63  }
0x1c: {  	_ =	swait.ge [sflag:s21], $0x4000  }
0x1d: {  	[sflag:s21] =	ssyncset.done $0x0  }
0x1e: {  	[sflag:s21] =	ssyncadd.s32 $0xFFFFC000  }
0x1f: {  	[spmem:s1] =	stream.indirect.scatter.add.f32 [tilespmem:s4], [sflag:$0x3], $0x80, s28, s22, $0xb8;
	[tilespmem:$0x8D00] =	vst v63  }
0x20: {  	_ =	swait.ge [sflag:s19], $0x4000  }
0x21: {  	[sflag:s19] =	ssyncset.done $0x0  }
0x22: {  	[sflag:s19] =	ssyncadd.s32 $0xFFFFC000  }
0x23: {  	_ =	swait.ge [sflag:s23], $0x4000  }
0x24: {  	[sflag:s23] =	ssyncset.done $0x0  }
0x25: {  	[sflag:s23] =	ssyncadd.s32 $0xFFFFC000  }
0x26: {  	[spmem:s1] =	stream.indirect.scatter.add.f32 [tilespmem:s17], [sflag:$0x3], $0x80, s29, s22, $0xb8;
	[tilespmem:$0x8D00] =	vst v63  }
0x27: {  	_ =	swait.ge [sflag:s19], $0x4000  }
0x28: {  	[sflag:s19] =	ssyncset.done $0x0  }
0x29: {  	[sflag:s19] =	ssyncadd.s32 $0xFFFFC000  }
0x2a: {  	[bflag:$0x0] =	sbarrier.arrive $0xFFFF  }
.LBB2_6:
0x2b: {  	s0 =	sor.u32 $0x1C03, s5  }
0x2c: {  	[hbm:s13], [sflag:s0] =	dma.local [spmem:s24], $0x80  }
0x2d: {  	_ =	swait.ge [sflag:s19], $0x80  }
0x2e: {  	[sflag:s19] =	ssyncset.done $0x0  }
0x2f: {  	[sflag:s19] =	ssyncadd.s32 $0xFFFFFF80  }
0x30: {  	[hbm:s14], [sflag:s0] =	dma.local [spmem:s25], $0x80  }
0x31: {  	_ =	swait.ge [sflag:s19], $0x80  }
0x32: {  	[sflag:s19] =	ssyncset.done $0x0  }
0x33: {  	[sflag:s19] =	ssyncadd.s32 $0xFFFFFF80  }
.LBB2_7:
0x34: {  	s30 =	sadd.s32 $0x1, s30  }
0x35: {  	p2 =	sne.s32 s30, s15  }
.Ltmp1:
0x36: {  	_ = 	snop;
	(pc) =	sbr.rel @!p2 .LBB2_8-.Ltmp1, $1  }
0x37: {  	_ =	sdelay $0x3  }
.LBB2_1:
0x38: {  	[tilespmem:s4], [sflag:$0x1] =	stream.linear.gather [hbm4b:s6+s4], $0x4000, $0x38;
	[tilespmem:$0x8D00] =	vst v63  }
0x39: {  	_ = 	snop  }
0x3a: {  	[tilespmem:s17], [sflag:$0x2] =	stream.linear.gather [hbm4b:s7+s4], $0x4000, $0x38;
	[tilespmem:$0x8D00] =	vst v63  }
0x3b: {  	_ = 	snop  }
0x3c: {  	[tilespmem:s18], [sflag:$0x3] =	stream.linear.gather [hbm4b:s8+s4], $0x200, $0x38;
	[tilespmem:$0x8D00] =	vst v63  }
0x3d: {  	s0 =	sand.u32 $0xE00, s4;
	s3 =	sand.u32 $0x70, s4;
	_ =	swait.ge [sflag:s19], $0x200  }
0x3e: {  	s31 =	simm.s32 $0x40;
	s0 =	sshrl.u32 s0, $0x2;
	[sflag:s19] =	ssyncset.done $0x0  }
0x3f: {  	s3 =	sor.u32 s3, s0;
	s0 =	simm.s32 $0x0;
	[sflag:s19] =	ssyncadd.s32 $0xFFFFFE00  }
.LBB2_2:
0x40: {  	p2 =	sne.s32 s31, $0xDC0  }
0x41: {  	[tilespmem:s3+$0x8200] =	vst v0;
	s0 =	sadd.s32 $0x10, s0;
	s3 =	smov.u32 s31;
	s31 =	sadd.s32 $0x40, s31  }
.Ltmp2:
0x42: {  	(pc) =	sbr.rel @p2 .LBB2_2-.Ltmp2, $4  }
0x43: {  	_ = 	snop  }
0x44: {  	s3 =	sand.u32 $0xE00, s3  }
0x45: {  	s26 =	sand.u32 $0x70, s0;
	s3 =	sshrl.u32 s3, $0x2  }
0x46: {  	s3 =	sor.u32 s26, s3  }
0x47: {  	[tilespmem:s3+$0x8200] =	vst v0  }
0x48: {  	[spmem:s9] =	stream.linear.scatter [tilespmem:s20], [sflag:$0x3], $0x380, $0x38;
	[tilespmem:$0x8D00] =	vst v63  }
0x49: {  	_ =	swait.ge [sflag:s19], $0x380  }
0x4a: {  	[sflag:s19] =	ssyncset.done $0x0  }
0x4b: {  	[sflag:s19] =	ssyncadd.s32 $0xFFFFFC80  }
0x4c: {  	[spmem:s10] =	stream.linear.scatter [tilespmem:s20], [sflag:$0x3], $0x380, $0x38;
	[tilespmem:$0x8D00] =	vst v63  }
0x4d: {  	_ =	swait.ge [sflag:s19], $0x380  }
0x4e: {  	[sflag:s19] =	ssyncset.done $0x0  }
0x4f: {  	[sflag:s19] =	ssyncadd.s32 $0xFFFFFC80  }
0x50: {  	[bflag:$0x0] =	sbarrier.arrive $0xFFFF  }
0x51: {  	_ =	swait.ge [sflag:s21], $0x4000  }
0x52: {  	[sflag:s21] =	ssyncset.done $0x0  }
0x53: {  	[sflag:s21] =	ssyncadd.s32 $0xFFFFC000  }
0x54: {  	[spmem:s16] =	stream.indirect.scatter.add.f32 [tilespmem:s4], [sflag:$0x3], $0x80, s18, s22, $0xb8;
	[tilespmem:$0x8D00] =	vst v63  }
0x55: {  	_ =	swait.ge [sflag:s19], $0x4000  }
0x56: {  	[sflag:s19] =	ssyncset.done $0x0  }
.Ltmp3:
0x57: {  	[sflag:s19] =	ssyncadd.s32 $0xFFFFC000;
	(pc) =	sbr.rel @!p0 .LBB2_4-.Ltmp3, $4  }
0x58: {  	[tilespmem:s4], [sflag:$0x1] =	stream.linear.gather [hbm4b:s11+s4], $0x4000, $0x38;
	[tilespmem:$0x8D00] =	vst v63  }
0x59: {  	_ =	swait.ge [sflag:s23], $0x4000  }
0x5a: {  	[sflag:s23] =	ssyncset.done $0x0  }
0x5b: {  	s0 =	simm.s32 $0x8080;
	[sflag:s23] =	ssyncadd.s32 $0xFFFFC000  }
0x5c: {  	[spmem:s2] =	stream.indirect.scatter.add.f32 [tilespmem:s17], [sflag:$0x3], $0x80, s0, s22, $0xb8;
	[tilespmem:$0x8D00] =	vst v63  }
0x5d: {  	_ =	swait.ge [sflag:s19], $0x4000  }
0x5e: {  	[sflag:s19] =	ssyncset.done $0x0  }
0x5f: {  	[sflag:s19] =	ssyncadd.s32 $0xFFFFC000  }
0x60: {  	[tilespmem:s17], [sflag:$0x2] =	stream.linear.gather [hbm4b:s12+s4], $0x4000, $0x38;
	[tilespmem:$0x8D00] =	vst v63  }
0x61: {  	_ =	swait.ge [sflag:s21], $0x4000  }
0x62: {  	[sflag:s21] =	ssyncset.done $0x0  }
0x63: {  	[sflag:s21] =	ssyncadd.s32 $0xFFFFC000  }
0x64: {  	[spmem:s2] =	stream.indirect.scatter.add.f32 [tilespmem:s4], [sflag:$0x3], $0x80, s28, s22, $0xb8;
	[tilespmem:$0x8D00] =	vst v63  }
0x65: {  	_ =	swait.ge [sflag:s19], $0x4000  }
0x66: {  	[sflag:s19] =	ssyncset.done $0x0  }
0x67: {  	[sflag:s19] =	ssyncadd.s32 $0xFFFFC000  }
0x68: {  	_ =	swait.ge [sflag:s23], $0x4000  }
0x69: {  	[sflag:s23] =	ssyncset.done $0x0  }
0x6a: {  	[sflag:s23] =	ssyncadd.s32 $0xFFFFC000  }
0x6b: {  	[spmem:s2] =	stream.indirect.scatter.add.f32 [tilespmem:s17], [sflag:$0x3], $0x80, s29, s22, $0xb8;
	[tilespmem:$0x8D00] =	vst v63  }
.Ltmp4:
0x6c: {  	_ =	swait.ge [sflag:s19], $0x4000;
	(pc) =	sbr.rel @p1 .LBB2_7-.Ltmp4, $4  }
.Ltmp5:
0x6d: {  	[sflag:s19] =	ssyncset.done $0x0;
	(pc) =	sbr.rel @!p1 .LBB2_6-.Ltmp5, $4  }
0x6e: {  	[sflag:s19] =	ssyncadd.s32 $0xFFFFC000  }
0x6f: {  	[bflag:$0x0] =	sbarrier.arrive $0xFFFF  }
0x70: {  	_ = 	snop  }
0x71: {  	_ = 	snop  }
.LBB2_8:
0x72: {  	_ =	sfence.sel $0x180000  }
0x73: {  	[bflag:$0x0] =	sbarrier.arrive $0xFFFF  }
0x74: {  	_ =	strace $0x90000047  }
0x75: {  	s0 =	stileid.u32;
	[bflag:$0x2] =	sbarrier.arrive $0xFFFF  }
0x76: {  	p0 =	sne.s32 s0, $0x0;
	s0 =	rddreg [dreg:$0x5]  }
0x77: {  	s0 =	sadd.s32 @!p0 $0x100000, s0  }
0x78: {  	[sflag:s0] =	ssyncadd.tile.s32 @!p0 $0x1;
	_ =	shalt  }
.Lfunc_end2:
_tile_overlayer_lowered:
.L_overlay_start_2:
0x79: {  	(tag) =	ssettag $0x2  }
0x7a: {  	s0 =	rddreg [dreg:$0x0];
	s2 =	stileid.u32  }
0x7b: {  	s1 =	rddreg [dreg:$0x1];
	p0 =	sne.s32 s2, $0x0  }
0x7c: {  	s3 =	rddreg [dreg:$0x2];
	[bflag:$0x3] =	sbarrier.arrive $0xFFFF;
	s2 =	simm.s32 @!p0 $0x1C03  }
0x7d: {  	[timem:s3], [sflag:s2] =	dma.local @!p0 [hbm:s0], s1  }
0x7e: {  	s0 =	simm.s32 @!p0 $0x3  }
0x7f: {  	_ =	swait.ge @!p0 [sflag:s0], s1  }
0x80: {  	s1 =	ssub.s32 @!p0 $0x0, s1;
	[sflag:s0] =	ssyncset.done @!p0 $0x0  }
0x81: {  	[sflag:s0] =	ssyncadd.s32 @!p0 s1  }
0x82: {  	[bflag:$0x3] =	sbarrier.arrive $0xFFFF  }
0x83: {  	_ =	shalt  }

</sc_bundles>
